<compile_context>
chip_gen: v7x
topology: tpu7x:2x2x1
jax: 0.10.2.dev20260603
libtpu: 0.0.44.dev20260713+nightly
codegen_flags: <defaults>
</compile_context>

<pallas_src>
import functools

import jax
import jax.numpy as jnp
from jax import lax
from jax.experimental import pallas as pl
from jax.experimental.pallas import tpu as pltpu
from jax.experimental.pallas import tpu_sc as plsc

N = 10000
NUM_EDGES = 320000
D = 128

NC = 2
NS = 16
NW = NC * NS
EDGES_PER_TILE = NUM_EDGES // NW
CHUNK = 125
NCHUNK = EDGES_PER_TILE // CHUNK
NP = 10240
DEG_STRIPE = NP // NS
ROW_STRIPE = NP // NS
HCHUNK = 80
HNCHUNK = EDGES_PER_TILE // HCHUNK

_MESH = plsc.VectorSubcoreMesh(core_axis_name="c", subcore_axis_name="s")



@functools.partial(
    pl.kernel,
    out_type=jax.ShapeDtypeStruct((NC, NP), jnp.float32),
    mesh=_MESH,
    scratch_types=[
        pltpu.VMEM((HNCHUNK, HCHUNK), jnp.int32),
        pltpu.VMEM((HCHUNK,), jnp.float32),
        pltpu.VMEM((DEG_STRIPE,), jnp.float32),
        pltpu.VMEM_SHARED((NP,), jnp.float32),
    ],
)
def _degree_kernel(dsth_hbm, deg_out, dstv, ones, zbuf, deg_sp):
    c = lax.axis_index("c")
    s = lax.axis_index("s")
    wid = s * NC + c
    pltpu.sync_copy(dsth_hbm.at[wid], dstv)
    for i in range(DEG_STRIPE // 16):
        zbuf[pl.ds(i * 16, 16)] = jnp.zeros((16,), jnp.float32)
    for i in range(HCHUNK // 16):
        ones[pl.ds(i * 16, 16)] = jnp.ones((16,), jnp.float32)
    pltpu.sync_copy(zbuf, deg_sp.at[pl.ds(s * DEG_STRIPE, DEG_STRIPE)])
    plsc.subcore_barrier()

    def body(j, carry):
        pltpu.sync_copy(ones, deg_sp.at[dstv.at[j]], add=True)
        return carry

    lax.fori_loop(0, HNCHUNK, body, 0)
    plsc.subcore_barrier()
    pltpu.sync_copy(deg_sp.at[pl.ds(s * DEG_STRIPE, DEG_STRIPE)],
                    deg_out.at[c, pl.ds(s * DEG_STRIPE, DEG_STRIPE)])



@functools.partial(
    pl.kernel,
    out_type=jax.ShapeDtypeStruct((NC, NP, D), jnp.float32),
    mesh=_MESH,
    scratch_types=[
        pltpu.VMEM_SHARED((NP, D), jnp.float32),
        pltpu.VMEM((NCHUNK, CHUNK), jnp.int32),
        pltpu.VMEM((NCHUNK, CHUNK), jnp.int32),
        pltpu.VMEM((CHUNK, D), jnp.float32),
    ],
)
def _edge_kernel(src_hbm, dst_hbm, xs_hbm, acc_out, acc_sp, srcv, dstv, buf):
    c = lax.axis_index("c")
    s = lax.axis_index("s")
    wid = s * NC + c
    pltpu.sync_copy(src_hbm.at[wid], srcv)
    pltpu.sync_copy(dst_hbm.at[wid], dstv)
    pltpu.sync_copy(xs_hbm.at[pl.ds(s * ROW_STRIPE, ROW_STRIPE)],
                    acc_sp.at[pl.ds(s * ROW_STRIPE, ROW_STRIPE)])
    plsc.subcore_barrier()

    def body(j, carry):
        pltpu.sync_copy(xs_hbm.at[srcv.at[j]], buf)
        pltpu.sync_copy(buf, acc_sp.at[dstv.at[j]], add=True)
        return carry

    lax.fori_loop(0, NCHUNK, body, 0)
    plsc.subcore_barrier()
    pltpu.sync_copy(acc_sp.at[pl.ds(s * ROW_STRIPE, ROW_STRIPE)],
                    acc_out.at[c, pl.ds(s * ROW_STRIPE, ROW_STRIPE)])



def _scale_body(degcol_ref, x_ref, rcol_ref, xs_ref):
    r = lax.rsqrt(degcol_ref[...])
    rcol_ref[...] = jnp.concatenate(
        [r, jnp.ones((NP - N, 1), jnp.float32)], axis=0)
    xs_ref[...] = jnp.concatenate(
        [x_ref[...] * r, jnp.zeros((NP - N, D), jnp.float32)], axis=0)


_scale_call = pl.pallas_call(
    _scale_body,
    out_shape=[
        jax.ShapeDtypeStruct((NP, 1), jnp.float32),
        jax.ShapeDtypeStruct((NP, D), jnp.float32),
    ],
)



def _out_body(acc_ref, xs_ref, rcol_ref, w_ref, b_ref, o_ref):
    m = (acc_ref[0] + acc_ref[1] - xs_ref[...]) * rcol_ref[...]
    o_ref[...] = (jnp.dot(m, w_ref[...],
                          preferred_element_type=jnp.float32)[:N]
                  + b_ref[...])


_out_call = pl.pallas_call(
    _out_body,
    out_shape=jax.ShapeDtypeStruct((N, D), jnp.float32),
)


def kernel(V, E, X, W, b):
    src_r = E[0].reshape(NW, NCHUNK, CHUNK)
    dst_r = E[1].reshape(NW, NCHUNK, CHUNK)
    dst_h = E[1].reshape(NW, HNCHUNK, HCHUNK)
    deg2 = _degree_kernel(dst_h)
    degcol = (deg2[0, :N] + deg2[1, :N] + 1.0).reshape(N, 1)
    rcol, xs = _scale_call(degcol, X)
    acc2 = _edge_kernel(src_r, dst_r, xs)
    return _out_call(acc2, xs, rcol, W, b.reshape(1, D))

# --- scband reference (transcript-rebuilt; emitter-appended) ---
"""Pipeline reference for scband-gcn-1-29635274342815 (READ-ONLY COPY).

The authoritative reference and input builder live on the scoring server;
editing this copy changes nothing except your own understanding.
"""

import jax, jax.numpy as jnp
import numpy as np

N = 10000
NUM_EDGES = 320000
D_IN = 128
D_OUT = 128


def setup_inputs(seed: int = 0) -> dict:
    key = jax.random.key(seed)
    k1, k2, k3 = jax.random.split(key, 3)
    V = jnp.arange(N, dtype=jnp.int32)
    E = jax.random.randint(k1, (2, NUM_EDGES), 0, N, dtype=jnp.int32)
    X = jax.random.normal(k2, (N, D_IN), dtype=jnp.float32)
    W = jax.random.normal(k3, (D_IN, D_OUT), dtype=jnp.float32) * (1.0 / np.sqrt(D_IN))
    b = jnp.zeros((D_OUT,), dtype=jnp.float32)
    return {"V": V, "E": E, "X": X, "W": W, "b": b}


def reference(V, E, X, W, b):
    # GCN layer in message-passing form with added self-loops and
    # symmetric degree normalization: H = D^{-1/2} (A+I) D^{-1/2} X W + b
    n = X.shape[0]
    src = jnp.concatenate([E[0], V])
    dst = jnp.concatenate([E[1], V])
    # in-degree (including self loop) per node via scatter-add
    deg = jnp.zeros((n,), jnp.float32).at[dst].add(1.0)
    norm = jax.lax.rsqrt(deg[src]) * jax.lax.rsqrt(deg[dst])
    # gather source features, scale, scatter-add to destinations
    msgs = X[src] * norm[:, None]
    agg = jnp.zeros((n, X.shape[1]), jnp.float32).at[dst].add(msgs)
    return agg @ W + b

if __name__ == "__main__":
    import jax
    _d = setup_inputs()
    print(jax.jit(kernel)(*tuple(_d.values())))

</pallas_src>

<mosaic_0001>
#map = affine_map<(d0, d1) -> (0, 0, 0)>
#map1 = affine_map<(d0, d1) -> (0, 0)>
module attributes {stable_mosaic.version = 14 : i64} {
  func.func @_degree_kernel(%arg0: i32, %arg1: i32, %arg2: memref<32x125x80xi32, #tpu.memory_space<hbm>>, %arg3: memref<2x10240xf32, #tpu.memory_space<hbm>>, %arg4: memref<125x80xi32, #tpu.memory_space<vmem>>, %arg5: memref<80xf32, #tpu.memory_space<vmem>>, %arg6: memref<640xf32, #tpu.memory_space<vmem>>, %arg7: memref<10240xf32, #tpu.memory_space<vmem_shared>>) attributes {dimension_semantics = [#tpu.dimension_semantics<core_parallel>, #tpu.dimension_semantics<subcore_parallel>], iteration_bounds = array<i64: 2, 16>, scalar_prefetch = 0 : i64, scratch_operands = 4 : i64, tpu.core_type = #tpu.core_type<sc_vector_subcore>, window_params = [{transform_indices = #map}, {transform_indices = #map1}]} {
    %mul3A = arith.constant 2 : i32
    %mul3A_0 = arith.muli %arg1, %mul3A : i32
    %add3A = arith.addi %mul3A_0, %arg0 : i32
    "tpu.region"() ({
      %run_scoped3A = tpu.sem_alloc : memref<!tpu.dma_semaphore, #tpu.memory_space<semaphore_mem>>
      %dma_start3A = arith.constant 0 : i32
      %dma_start3A_281 = arith.constant 0 : i32
      %dma_start3A_282 = tpu.memref_slice %arg2[%add3A, %dma_start3A, %dma_start3A_281] : memref<32x125x80xi32, #tpu.memory_space<hbm>> -> memref<1x125x80xi32, #tpu.memory_space<hbm>>
      %dma_start3A_283 = tpu.memref_squeeze %dma_start3A_282 : memref<1x125x80xi32, #tpu.memory_space<hbm>> -> memref<125x80xi32, #tpu.memory_space<hbm>>
      %dma_start3A_284 = arith.constant 0 : i32
      %dma_start3A_285 = arith.constant 0 : i32
      %dma_start3A_286 = tpu.memref_slice %arg2[%add3A, %dma_start3A_284, %dma_start3A_285] : memref<32x125x80xi32, #tpu.memory_space<hbm>> -> memref<1x125x80xi32, #tpu.memory_space<hbm>>
      %dma_start3A_287 = tpu.memref_squeeze %dma_start3A_286 : memref<1x125x80xi32, #tpu.memory_space<hbm>> -> memref<125x80xi32, #tpu.memory_space<hbm>>
      tpu.enqueue_dma source(%dma_start3A_287 : memref<125x80xi32, #tpu.memory_space<hbm>>) target(%arg4 : memref<125x80xi32, #tpu.memory_space<vmem>>) target_semaphore(%run_scoped3A : memref<!tpu.dma_semaphore, #tpu.memory_space<semaphore_mem>>)
      %dma_wait3A = arith.constant 0 : i32
      %dma_wait3A_288 = arith.constant 0 : i32
      %dma_wait3A_289 = tpu.memref_slice %arg2[%add3A, %dma_wait3A, %dma_wait3A_288] : memref<32x125x80xi32, #tpu.memory_space<hbm>> -> memref<1x125x80xi32, #tpu.memory_space<hbm>>
      %dma_wait3A_290 = tpu.memref_squeeze %dma_wait3A_289 : memref<1x125x80xi32, #tpu.memory_space<hbm>> -> memref<125x80xi32, #tpu.memory_space<hbm>>
      %dma_wait3A_291 = arith.constant 0 : i32
      %dma_wait3A_292 = arith.constant 0 : i32
      %dma_wait3A_293 = tpu.memref_slice %arg2[%add3A, %dma_wait3A_291, %dma_wait3A_292] : memref<32x125x80xi32, #tpu.memory_space<hbm>> -> memref<1x125x80xi32, #tpu.memory_space<hbm>>
      %dma_wait3A_294 = tpu.memref_squeeze %dma_wait3A_293 : memref<1x125x80xi32, #tpu.memory_space<hbm>> -> memref<125x80xi32, #tpu.memory_space<hbm>>
      tpu.wait_dma2 semaphore(%run_scoped3A : memref<!tpu.dma_semaphore, #tpu.memory_space<semaphore_mem>>) src(%dma_wait3A_294 : memref<125x80xi32, #tpu.memory_space<hbm>>) dst(%arg4 : memref<125x80xi32, #tpu.memory_space<vmem>>)
      tpu.yield
    }) : () -> ()
    %broadcast_in_dim3A = arith.constant 0.000000e+00 : f32
    %broadcast_in_dim3A_1 = vector.broadcast %broadcast_in_dim3A : f32 to vector<16xf32>
    %swap3A = arith.constant 0 : index
    %swap3A_2 = tpu.vector_load %arg6[%swap3A] {strides = array<i32>} : memref<640xf32, #tpu.memory_space<vmem>>, vector<16xf32>,
    %swap3A_3 = vector.shape_cast %swap3A_2 : vector<16xf32> to vector<16xf32>
    %swap3A_4 = vector.shape_cast %broadcast_in_dim3A_1 : vector<16xf32> to vector<16xf32>
    tpu.vector_store %arg6[%swap3A], %swap3A_4 {strides = array<i32>} : memref<640xf32, #tpu.memory_space<vmem>>, vector<16xf32>,
    %broadcast_in_dim3A_5 = arith.constant 0.000000e+00 : f32
    %broadcast_in_dim3A_6 = vector.broadcast %broadcast_in_dim3A_5 : f32 to vector<16xf32>
    %swap3A_7 = arith.constant 16 : index
    %swap3A_8 = tpu.vector_load %arg6[%swap3A_7] {strides = array<i32>} : memref<640xf32, #tpu.memory_space<vmem>>, vector<16xf32>,
    %swap3A_9 = vector.shape_cast %swap3A_8 : vector<16xf32> to vector<16xf32>
    %swap3A_10 = vector.shape_cast %broadcast_in_dim3A_6 : vector<16xf32> to vector<16xf32>
    tpu.vector_store %arg6[%swap3A_7], %swap3A_10 {strides = array<i32>} : memref<640xf32, #tpu.memory_space<vmem>>, vector<16xf32>,
    %broadcast_in_dim3A_11 = arith.constant 0.000000e+00 : f32
    %broadcast_in_dim3A_12 = vector.broadcast %broadcast_in_dim3A_11 : f32 to vector<16xf32>
    %swap3A_13 = arith.constant 32 : index
    %swap3A_14 = tpu.vector_load %arg6[%swap3A_13] {strides = array<i32>} : memref<640xf32, #tpu.memory_space<vmem>>, vector<16xf32>,
    %swap3A_15 = vector.shape_cast %swap3A_14 : vector<16xf32> to vector<16xf32>
    %swap3A_16 = vector.shape_cast %broadcast_in_dim3A_12 : vector<16xf32> to vector<16xf32>
    tpu.vector_store %arg6[%swap3A_13], %swap3A_16 {strides = array<i32>} : memref<640xf32, #tpu.memory_space<vmem>>, vector<16xf32>,
    %broadcast_in_dim3A_17 = arith.constant 0.000000e+00 : f32
    %broadcast_in_dim3A_18 = vector.broadcast %broadcast_in_dim3A_17 : f32 to vector<16xf32>
    %swap3A_19 = arith.constant 48 : index
    %swap3A_20 = tpu.vector_load %arg6[%swap3A_19] {strides = array<i32>} : memref<640xf32, #tpu.memory_space<vmem>>, vector<16xf32>,
    %swap3A_21 = vector.shape_cast %swap3A_20 : vector<16xf32> to vector<16xf32>
    %swap3A_22 = vector.shape_cast %broadcast_in_dim3A_18 : vector<16xf32> to vector<16xf32>
    tpu.vector_store %arg6[%swap3A_19], %swap3A_22 {strides = array<i32>} : memref<640xf32, #tpu.memory_space<vmem>>, vector<16xf32>,
    %broadcast_in_dim3A_23 = arith.constant 0.000000e+00 : f32
    %broadcast_in_dim3A_24 = vector.broadcast %broadcast_in_dim3A_23 : f32 to vector<16xf32>
    %swap3A_25 = arith.constant 64 : index
    %swap3A_26 = tpu.vector_load %arg6[%swap3A_25] {strides = array<i32>} : memref<640xf32, #tpu.memory_space<vmem>>, vector<16xf32>,
    %swap3A_27 = vector.shape_cast %swap3A_26 : vector<16xf32> to vector<16xf32>
    %swap3A_28 = vector.shape_cast %broadcast_in_dim3A_24 : vector<16xf32> to vector<16xf32>
    tpu.vector_store %arg6[%swap3A_25], %swap3A_28 {strides = array<i32>} : memref<640xf32, #tpu.memory_space<vmem>>, vector<16xf32>,
    %broadcast_in_dim3A_29 = arith.constant 0.000000e+00 : f32
    %broadcast_in_dim3A_30 = vector.broadcast %broadcast_in_dim3A_29 : f32 to vector<16xf32>
    %swap3A_31 = arith.constant 80 : index
    %swap3A_32 = tpu.vector_load %arg6[%swap3A_31] {strides = array<i32>} : memref<640xf32, #tpu.memory_space<vmem>>, vector<16xf32>,
    %swap3A_33 = vector.shape_cast %swap3A_32 : vector<16xf32> to vector<16xf32>
    %swap3A_34 = vector.shape_cast %broadcast_in_dim3A_30 : vector<16xf32> to vector<16xf32>
    tpu.vector_store %arg6[%swap3A_31], %swap3A_34 {strides = array<i32>} : memref<640xf32, #tpu.memory_space<vmem>>, vector<16xf32>,
    %broadcast_in_dim3A_35 = arith.constant 0.000000e+00 : f32
    %broadcast_in_dim3A_36 = vector.broadcast %broadcast_in_dim3A_35 : f32 to vector<16xf32>
    %swap3A_37 = arith.constant 96 : index
    %swap3A_38 = tpu.vector_load %arg6[%swap3A_37] {strides = array<i32>} : memref<640xf32, #tpu.memory_space<vmem>>, vector<16xf32>,
    %swap3A_39 = vector.shape_cast %swap3A_38 : vector<16xf32> to vector<16xf32>
    %swap3A_40 = vector.shape_cast %broadcast_in_dim3A_36 : vector<16xf32> to vector<16xf32>
    tpu.vector_store %arg6[%swap3A_37], %swap3A_40 {strides = array<i32>} : memref<640xf32, #tpu.memory_space<vmem>>, vector<16xf32>,
    %broadcast_in_dim3A_41 = arith.constant 0.000000e+00 : f32
    %broadcast_in_dim3A_42 = vector.broadcast %broadcast_in_dim3A_41 : f32 to vector<16xf32>
    %swap3A_43 = arith.constant 112 : index
    %swap3A_44 = tpu.vector_load %arg6[%swap3A_43] {strides = array<i32>} : memref<640xf32, #tpu.memory_space<vmem>>, vector<16xf32>,
    %swap3A_45 = vector.shape_cast %swap3A_44 : vector<16xf32> to vector<16xf32>
    %swap3A_46 = vector.shape_cast %broadcast_in_dim3A_42 : vector<16xf32> to vector<16xf32>
    tpu.vector_store %arg6[%swap3A_43], %swap3A_46 {strides = array<i32>} : memref<640xf32, #tpu.memory_space<vmem>>, vector<16xf32>,
    %broadcast_in_dim3A_47 = arith.constant 0.000000e+00 : f32
    %broadcast_in_dim3A_48 = vector.broadcast %broadcast_in_dim3A_47 : f32 to vector<16xf32>
    %swap3A_49 = arith.constant 128 : index
    %swap3A_50 = tpu.vector_load %arg6[%swap3A_49] {strides = array<i32>} : memref<640xf32, #tpu.memory_space<vmem>>, vector<16xf32>,
    %swap3A_51 = vector.shape_cast %swap3A_50 : vector<16xf32> to vector<16xf32>
    %swap3A_52 = vector.shape_cast %broadcast_in_dim3A_48 : vector<16xf32> to vector<16xf32>
    tpu.vector_store %arg6[%swap3A_49], %swap3A_52 {strides = array<i32>} : memref<640xf32, #tpu.memory_space<vmem>>, vector<16xf32>,
    %broadcast_in_dim3A_53 = arith.constant 0.000000e+00 : f32
    %broadcast_in_dim3A_54 = vector.broadcast %broadcast_in_dim3A_53 : f32 to vector<16xf32>
    %swap3A_55 = arith.constant 144 : index
    %swap3A_56 = tpu.vector_load %arg6[%swap3A_55] {strides = array<i32>} : memref<640xf32, #tpu.memory_space<vmem>>, vector<16xf32>,
    %swap3A_57 = vector.shape_cast %swap3A_56 : vector<16xf32> to vector<16xf32>
    %swap3A_58 = vector.shape_cast %broadcast_in_dim3A_54 : vector<16xf32> to vector<16xf32>
    tpu.vector_store %arg6[%swap3A_55], %swap3A_58 {strides = array<i32>} : memref<640xf32, #tpu.memory_space<vmem>>, vector<16xf32>,
    %broadcast_in_dim3A_59 = arith.constant 0.000000e+00 : f32
    %broadcast_in_dim3A_60 = vector.broadcast %broadcast_in_dim3A_59 : f32 to vector<16xf32>
    %swap3A_61 = arith.constant 160 : index
    %swap3A_62 = tpu.vector_load %arg6[%swap3A_61] {strides = array<i32>} : memref<640xf32, #tpu.memory_space<vmem>>, vector<16xf32>,
    %swap3A_63 = vector.shape_cast %swap3A_62 : vector<16xf32> to vector<16xf32>
    %swap3A_64 = vector.shape_cast %broadcast_in_dim3A_60 : vector<16xf32> to vector<16xf32>
    tpu.vector_store %arg6[%swap3A_61], %swap3A_64 {strides = array<i32>} : memref<640xf32, #tpu.memory_space<vmem>>, vector<16xf32>,
    %broadcast_in_dim3A_65 = arith.constant 0.000000e+00 : f32
    %broadcast_in_dim3A_66 = vector.broadcast %broadcast_in_dim3A_65 : f32 to vector<16xf32>
    %swap3A_67 = arith.constant 176 : index
    %swap3A_68 = tpu.vector_load %arg6[%swap3A_67] {strides = array<i32>} : memref<640xf32, #tpu.memory_space<vmem>>, vector<16xf32>,
    %swap3A_69 = vector.shape_cast %swap3A_68 : vector<16xf32> to vector<16xf32>
    %swap3A_70 = vector.shape_cast %broadcast_in_dim3A_66 : vector<16xf32> to vector<16xf32>
    tpu.vector_store %arg6[%swap3A_67], %swap3A_70 {strides = array<i32>} : memref<640xf32, #tpu.memory_space<vmem>>, vector<16xf32>,
    %broadcast_in_dim3A_71 = arith.constant 0.000000e+00 : f32
    %broadcast_in_dim3A_72 = vector.broadcast %broadcast_in_dim3A_71 : f32 to vector<16xf32>
    %swap3A_73 = arith.constant 192 : index
    %swap3A_74 = tpu.vector_load %arg6[%swap3A_73] {strides = array<i32>} : memref<640xf32, #tpu.memory_space<vmem>>, vector<16xf32>,
    %swap3A_75 = vector.shape_cast %swap3A_74 : vector<16xf32> to vector<16xf32>
    %swap3A_76 = vector.shape_cast %broadcast_in_dim3A_72 : vector<16xf32> to vector<16xf32>
    tpu.vector_store %arg6[%swap3A_73], %swap3A_76 {strides = array<i32>} : memref<640xf32, #tpu.memory_space<vmem>>, vector<16xf32>,
    %broadcast_in_dim3A_77 = arith.constant 0.000000e+00 : f32
    %broadcast_in_dim3A_78 = vector.broadcast %broadcast_in_dim3A_77 : f32 to vector<16xf32>
    %swap3A_79 = arith.constant 208 : index
    %swap3A_80 = tpu.vector_load %arg6[%swap3A_79] {strides = array<i32>} : memref<640xf32, #tpu.memory_space<vmem>>, vector<16xf32>,
    %swap3A_81 = vector.shape_cast %swap3A_80 : vector<16xf32> to vector<16xf32>
    %swap3A_82 = vector.shape_cast %broadcast_in_dim3A_78 : vector<16xf32> to vector<16xf32>
    tpu.vector_store %arg6[%swap3A_79], %swap3A_82 {strides = array<i32>} : memref<640xf32, #tpu.memory_space<vmem>>, vector<16xf32>,
    %broadcast_in_dim3A_83 = arith.constant 0.000000e+00 : f32
    %broadcast_in_dim3A_84 = vector.broadcast %broadcast_in_dim3A_83 : f32 to vector<16xf32>
    %swap3A_85 = arith.constant 224 : index
    %swap3A_86 = tpu.vector_load %arg6[%swap3A_85] {strides = array<i32>} : memref<640xf32, #tpu.memory_space<vmem>>, vector<16xf32>,
    %swap3A_87 = vector.shape_cast %swap3A_86 : vector<16xf32> to vector<16xf32>
    %swap3A_88 = vector.shape_cast %broadcast_in_dim3A_84 : vector<16xf32> to vector<16xf32>
    tpu.vector_store %arg6[%swap3A_85], %swap3A_88 {strides = array<i32>} : memref<640xf32, #tpu.memory_space<vmem>>, vector<16xf32>,
    %broadcast_in_dim3A_89 = arith.constant 0.000000e+00 : f32
    %broadcast_in_dim3A_90 = vector.broadcast %broadcast_in_dim3A_89 : f32 to vector<16xf32>
    %swap3A_91 = arith.constant 240 : index
    %swap3A_92 = tpu.vector_load %arg6[%swap3A_91] {strides = array<i32>} : memref<640xf32, #tpu.memory_space<vmem>>, vector<16xf32>,
    %swap3A_93 = vector.shape_cast %swap3A_92 : vector<16xf32> to vector<16xf32>
    %swap3A_94 = vector.shape_cast %broadcast_in_dim3A_90 : vector<16xf32> to vector<16xf32>
    tpu.vector_store %arg6[%swap3A_91], %swap3A_94 {strides = array<i32>} : memref<640xf32, #tpu.memory_space<vmem>>, vector<16xf32>,
    %broadcast_in_dim3A_95 = arith.constant 0.000000e+00 : f32
    %broadcast_in_dim3A_96 = vector.broadcast %broadcast_in_dim3A_95 : f32 to vector<16xf32>
    %swap3A_97 = arith.constant 256 : index
    %swap3A_98 = tpu.vector_load %arg6[%swap3A_97] {strides = array<i32>} : memref<640xf32, #tpu.memory_space<vmem>>, vector<16xf32>,
    %swap3A_99 = vector.shape_cast %swap3A_98 : vector<16xf32> to vector<16xf32>
    %swap3A_100 = vector.shape_cast %broadcast_in_dim3A_96 : vector<16xf32> to vector<16xf32>
    tpu.vector_store %arg6[%swap3A_97], %swap3A_100 {strides = array<i32>} : memref<640xf32, #tpu.memory_space<vmem>>, vector<16xf32>,
    %broadcast_in_dim3A_101 = arith.constant 0.000000e+00 : f32
    %broadcast_in_dim3A_102 = vector.broadcast %broadcast_in_dim3A_101 : f32 to vector<16xf32>
    %swap3A_103 = arith.constant 272 : index
    %swap3A_104 = tpu.vector_load %arg6[%swap3A_103] {strides = array<i32>} : memref<640xf32, #tpu.memory_space<vmem>>, vector<16xf32>,
    %swap3A_105 = vector.shape_cast %swap3A_104 : vector<16xf32> to vector<16xf32>
    %swap3A_106 = vector.shape_cast %broadcast_in_dim3A_102 : vector<16xf32> to vector<16xf32>
    tpu.vector_store %arg6[%swap3A_103], %swap3A_106 {strides = array<i32>} : memref<640xf32, #tpu.memory_space<vmem>>, vector<16xf32>,
    %broadcast_in_dim3A_107 = arith.constant 0.000000e+00 : f32
    %broadcast_in_dim3A_108 = vector.broadcast %broadcast_in_dim3A_107 : f32 to vector<16xf32>
    %swap3A_109 = arith.constant 288 : index
    %swap3A_110 = tpu.vector_load %arg6[%swap3A_109] {strides = array<i32>} : memref<640xf32, #tpu.memory_space<vmem>>, vector<16xf32>,
    %swap3A_111 = vector.shape_cast %swap3A_110 : vector<16xf32> to vector<16xf32>
    %swap3A_112 = vector.shape_cast %broadcast_in_dim3A_108 : vector<16xf32> to vector<16xf32>
    tpu.vector_store %arg6[%swap3A_109], %swap3A_112 {strides = array<i32>} : memref<640xf32, #tpu.memory_space<vmem>>, vector<16xf32>,
    %broadcast_in_dim3A_113 = arith.constant 0.000000e+00 : f32
    %broadcast_in_dim3A_114 = vector.broadcast %broadcast_in_dim3A_113 : f32 to vector<16xf32>
    %swap3A_115 = arith.constant 304 : index
    %swap3A_116 = tpu.vector_load %arg6[%swap3A_115] {strides = array<i32>} : memref<640xf32, #tpu.memory_space<vmem>>, vector<16xf32>,
    %swap3A_117 = vector.shape_cast %swap3A_116 : vector<16xf32> to vector<16xf32>
    %swap3A_118 = vector.shape_cast %broadcast_in_dim3A_114 : vector<16xf32> to vector<16xf32>
    tpu.vector_store %arg6[%swap3A_115], %swap3A_118 {strides = array<i32>} : memref<640xf32, #tpu.memory_space<vmem>>, vector<16xf32>,
    %broadcast_in_dim3A_119 = arith.constant 0.000000e+00 : f32
    %broadcast_in_dim3A_120 = vector.broadcast %broadcast_in_dim3A_119 : f32 to vector<16xf32>
    %swap3A_121 = arith.constant 320 : index
    %swap3A_122 = tpu.vector_load %arg6[%swap3A_121] {strides = array<i32>} : memref<640xf32, #tpu.memory_space<vmem>>, vector<16xf32>,
    %swap3A_123 = vector.shape_cast %swap3A_122 : vector<16xf32> to vector<16xf32>
    %swap3A_124 = vector.shape_cast %broadcast_in_dim3A_120 : vector<16xf32> to vector<16xf32>
    tpu.vector_store %arg6[%swap3A_121], %swap3A_124 {strides = array<i32>} : memref<640xf32, #tpu.memory_space<vmem>>, vector<16xf32>,
    %broadcast_in_dim3A_125 = arith.constant 0.000000e+00 : f32
    %broadcast_in_dim3A_126 = vector.broadcast %broadcast_in_dim3A_125 : f32 to vector<16xf32>
    %swap3A_127 = arith.constant 336 : index
    %swap3A_128 = tpu.vector_load %arg6[%swap3A_127] {strides = array<i32>} : memref<640xf32, #tpu.memory_space<vmem>>, vector<16xf32>,
    %swap3A_129 = vector.shape_cast %swap3A_128 : vector<16xf32> to vector<16xf32>
    %swap3A_130 = vector.shape_cast %broadcast_in_dim3A_126 : vector<16xf32> to vector<16xf32>
    tpu.vector_store %arg6[%swap3A_127], %swap3A_130 {strides = array<i32>} : memref<640xf32, #tpu.memory_space<vmem>>, vector<16xf32>,
    %broadcast_in_dim3A_131 = arith.constant 0.000000e+00 : f32
    %broadcast_in_dim3A_132 = vector.broadcast %broadcast_in_dim3A_131 : f32 to vector<16xf32>
    %swap3A_133 = arith.constant 352 : index
    %swap3A_134 = tpu.vector_load %arg6[%swap3A_133] {strides = array<i32>} : memref<640xf32, #tpu.memory_space<vmem>>, vector<16xf32>,
    %swap3A_135 = vector.shape_cast %swap3A_134 : vector<16xf32> to vector<16xf32>
    %swap3A_136 = vector.shape_cast %broadcast_in_dim3A_132 : vector<16xf32> to vector<16xf32>
    tpu.vector_store %arg6[%swap3A_133], %swap3A_136 {strides = array<i32>} : memref<640xf32, #tpu.memory_space<vmem>>, vector<16xf32>,
    %broadcast_in_dim3A_137 = arith.constant 0.000000e+00 : f32
    %broadcast_in_dim3A_138 = vector.broadcast %broadcast_in_dim3A_137 : f32 to vector<16xf32>
    %swap3A_139 = arith.constant 368 : index
    %swap3A_140 = tpu.vector_load %arg6[%swap3A_139] {strides = array<i32>} : memref<640xf32, #tpu.memory_space<vmem>>, vector<16xf32>,
    %swap3A_141 = vector.shape_cast %swap3A_140 : vector<16xf32> to vector<16xf32>
    %swap3A_142 = vector.shape_cast %broadcast_in_dim3A_138 : vector<16xf32> to vector<16xf32>
    tpu.vector_store %arg6[%swap3A_139], %swap3A_142 {strides = array<i32>} : memref<640xf32, #tpu.memory_space<vmem>>, vector<16xf32>,
    %broadcast_in_dim3A_143 = arith.constant 0.000000e+00 : f32
    %broadcast_in_dim3A_144 = vector.broadcast %broadcast_in_dim3A_143 : f32 to vector<16xf32>
    %swap3A_145 = arith.constant 384 : index
    %swap3A_146 = tpu.vector_load %arg6[%swap3A_145] {strides = array<i32>} : memref<640xf32, #tpu.memory_space<vmem>>, vector<16xf32>,
    %swap3A_147 = vector.shape_cast %swap3A_146 : vector<16xf32> to vector<16xf32>
    %swap3A_148 = vector.shape_cast %broadcast_in_dim3A_144 : vector<16xf32> to vector<16xf32>
    tpu.vector_store %arg6[%swap3A_145], %swap3A_148 {strides = array<i32>} : memref<640xf32, #tpu.memory_space<vmem>>, vector<16xf32>,
    %broadcast_in_dim3A_149 = arith.constant 0.000000e+00 : f32
    %broadcast_in_dim3A_150 = vector.broadcast %broadcast_in_dim3A_149 : f32 to vector<16xf32>
    %swap3A_151 = arith.constant 400 : index
    %swap3A_152 = tpu.vector_load %arg6[%swap3A_151] {strides = array<i32>} : memref<640xf32, #tpu.memory_space<vmem>>, vector<16xf32>,
    %swap3A_153 = vector.shape_cast %swap3A_152 : vector<16xf32> to vector<16xf32>
    %swap3A_154 = vector.shape_cast %broadcast_in_dim3A_150 : vector<16xf32> to vector<16xf32>
    tpu.vector_store %arg6[%swap3A_151], %swap3A_154 {strides = array<i32>} : memref<640xf32, #tpu.memory_space<vmem>>, vector<16xf32>,
    %broadcast_in_dim3A_155 = arith.constant 0.000000e+00 : f32
    %broadcast_in_dim3A_156 = vector.broadcast %broadcast_in_dim3A_155 : f32 to vector<16xf32>
    %swap3A_157 = arith.constant 416 : index
    %swap3A_158 = tpu.vector_load %arg6[%swap3A_157] {strides = array<i32>} : memref<640xf32, #tpu.memory_space<vmem>>, vector<16xf32>,
    %swap3A_159 = vector.shape_cast %swap3A_158 : vector<16xf32> to vector<16xf32>
    %swap3A_160 = vector.shape_cast %broadcast_in_dim3A_156 : vector<16xf32> to vector<16xf32>
    tpu.vector_store %arg6[%swap3A_157], %swap3A_160 {strides = array<i32>} : memref<640xf32, #tpu.memory_space<vmem>>, vector<16xf32>,
    %broadcast_in_dim3A_161 = arith.constant 0.000000e+00 : f32
    %broadcast_in_dim3A_162 = vector.broadcast %broadcast_in_dim3A_161 : f32 to vector<16xf32>
    %swap3A_163 = arith.constant 432 : index
    %swap3A_164 = tpu.vector_load %arg6[%swap3A_163] {strides = array<i32>} : memref<640xf32, #tpu.memory_space<vmem>>, vector<16xf32>,
    %swap3A_165 = vector.shape_cast %swap3A_164 : vector<16xf32> to vector<16xf32>
    %swap3A_166 = vector.shape_cast %broadcast_in_dim3A_162 : vector<16xf32> to vector<16xf32>
    tpu.vector_store %arg6[%swap3A_163], %swap3A_166 {strides = array<i32>} : memref<640xf32, #tpu.memory_space<vmem>>, vector<16xf32>,
    %broadcast_in_dim3A_167 = arith.constant 0.000000e+00 : f32
    %broadcast_in_dim3A_168 = vector.broadcast %broadcast_in_dim3A_167 : f32 to vector<16xf32>
    %swap3A_169 = arith.constant 448 : index
    %swap3A_170 = tpu.vector_load %arg6[%swap3A_169] {strides = array<i32>} : memref<640xf32, #tpu.memory_space<vmem>>, vector<16xf32>,
    %swap3A_171 = vector.shape_cast %swap3A_170 : vector<16xf32> to vector<16xf32>
    %swap3A_172 = vector.shape_cast %broadcast_in_dim3A_168 : vector<16xf32> to vector<16xf32>
    tpu.vector_store %arg6[%swap3A_169], %swap3A_172 {strides = array<i32>} : memref<640xf32, #tpu.memory_space<vmem>>, vector<16xf32>,
    %broadcast_in_dim3A_173 = arith.constant 0.000000e+00 : f32
    %broadcast_in_dim3A_174 = vector.broadcast %broadcast_in_dim3A_173 : f32 to vector<16xf32>
    %swap3A_175 = arith.constant 464 : index
    %swap3A_176 = tpu.vector_load %arg6[%swap3A_175] {strides = array<i32>} : memref<640xf32, #tpu.memory_space<vmem>>, vector<16xf32>,
    %swap3A_177 = vector.shape_cast %swap3A_176 : vector<16xf32> to vector<16xf32>
    %swap3A_178 = vector.shape_cast %broadcast_in_dim3A_174 : vector<16xf32> to vector<16xf32>
    tpu.vector_store %arg6[%swap3A_175], %swap3A_178 {strides = array<i32>} : memref<640xf32, #tpu.memory_space<vmem>>, vector<16xf32>,
    %broadcast_in_dim3A_179 = arith.constant 0.000000e+00 : f32
    %broadcast_in_dim3A_180 = vector.broadcast %broadcast_in_dim3A_179 : f32 to vector<16xf32>
    %swap3A_181 = arith.constant 480 : index
    %swap3A_182 = tpu.vector_load %arg6[%swap3A_181] {strides = array<i32>} : memref<640xf32, #tpu.memory_space<vmem>>, vector<16xf32>,
    %swap3A_183 = vector.shape_cast %swap3A_182 : vector<16xf32> to vector<16xf32>
    %swap3A_184 = vector.shape_cast %broadcast_in_dim3A_180 : vector<16xf32> to vector<16xf32>
    tpu.vector_store %arg6[%swap3A_181], %swap3A_184 {strides = array<i32>} : memref<640xf32, #tpu.memory_space<vmem>>, vector<16xf32>,
    %broadcast_in_dim3A_185 = arith.constant 0.000000e+00 : f32
    %broadcast_in_dim3A_186 = vector.broadcast %broadcast_in_dim3A_185 : f32 to vector<16xf32>
    %swap3A_187 = arith.constant 496 : index
    %swap3A_188 = tpu.vector_load %arg6[%swap3A_187] {strides = array<i32>} : memref<640xf32, #tpu.memory_space<vmem>>, vector<16xf32>,
    %swap3A_189 = vector.shape_cast %swap3A_188 : vector<16xf32> to vector<16xf32>
    %swap3A_190 = vector.shape_cast %broadcast_in_dim3A_186 : vector<16xf32> to vector<16xf32>
    tpu.vector_store %arg6[%swap3A_187], %swap3A_190 {strides = array<i32>} : memref<640xf32, #tpu.memory_space<vmem>>, vector<16xf32>,
    %broadcast_in_dim3A_191 = arith.constant 0.000000e+00 : f32
    %broadcast_in_dim3A_192 = vector.broadcast %broadcast_in_dim3A_191 : f32 to vector<16xf32>
    %swap3A_193 = arith.constant 512 : index
    %swap3A_194 = tpu.vector_load %arg6[%swap3A_193] {strides = array<i32>} : memref<640xf32, #tpu.memory_space<vmem>>, vector<16xf32>,
    %swap3A_195 = vector.shape_cast %swap3A_194 : vector<16xf32> to vector<16xf32>
    %swap3A_196 = vector.shape_cast %broadcast_in_dim3A_192 : vector<16xf32> to vector<16xf32>
    tpu.vector_store %arg6[%swap3A_193], %swap3A_196 {strides = array<i32>} : memref<640xf32, #tpu.memory_space<vmem>>, vector<16xf32>,
    %broadcast_in_dim3A_197 = arith.constant 0.000000e+00 : f32
    %broadcast_in_dim3A_198 = vector.broadcast %broadcast_in_dim3A_197 : f32 to vector<16xf32>
    %swap3A_199 = arith.constant 528 : index
    %swap3A_200 = tpu.vector_load %arg6[%swap3A_199] {strides = array<i32>} : memref<640xf32, #tpu.memory_space<vmem>>, vector<16xf32>,
    %swap3A_201 = vector.shape_cast %swap3A_200 : vector<16xf32> to vector<16xf32>
    %swap3A_202 = vector.shape_cast %broadcast_in_dim3A_198 : vector<16xf32> to vector<16xf32>
    tpu.vector_store %arg6[%swap3A_199], %swap3A_202 {strides = array<i32>} : memref<640xf32, #tpu.memory_space<vmem>>, vector<16xf32>,
    %broadcast_in_dim3A_203 = arith.constant 0.000000e+00 : f32
    %broadcast_in_dim3A_204 = vector.broadcast %broadcast_in_dim3A_203 : f32 to vector<16xf32>
    %swap3A_205 = arith.constant 544 : index
    %swap3A_206 = tpu.vector_load %arg6[%swap3A_205] {strides = array<i32>} : memref<640xf32, #tpu.memory_space<vmem>>, vector<16xf32>,
    %swap3A_207 = vector.shape_cast %swap3A_206 : vector<16xf32> to vector<16xf32>
    %swap3A_208 = vector.shape_cast %broadcast_in_dim3A_204 : vector<16xf32> to vector<16xf32>
    tpu.vector_store %arg6[%swap3A_205], %swap3A_208 {strides = array<i32>} : memref<640xf32, #tpu.memory_space<vmem>>, vector<16xf32>,
    %broadcast_in_dim3A_209 = arith.constant 0.000000e+00 : f32
    %broadcast_in_dim3A_210 = vector.broadcast %broadcast_in_dim3A_209 : f32 to vector<16xf32>
    %swap3A_211 = arith.constant 560 : index
    %swap3A_212 = tpu.vector_load %arg6[%swap3A_211] {strides = array<i32>} : memref<640xf32, #tpu.memory_space<vmem>>, vector<16xf32>,
    %swap3A_213 = vector.shape_cast %swap3A_212 : vector<16xf32> to vector<16xf32>
    %swap3A_214 = vector.shape_cast %broadcast_in_dim3A_210 : vector<16xf32> to vector<16xf32>
    tpu.vector_store %arg6[%swap3A_211], %swap3A_214 {strides = array<i32>} : memref<640xf32, #tpu.memory_space<vmem>>, vector<16xf32>,
    %broadcast_in_dim3A_215 = arith.constant 0.000000e+00 : f32
    %broadcast_in_dim3A_216 = vector.broadcast %broadcast_in_dim3A_215 : f32 to vector<16xf32>
    %swap3A_217 = arith.constant 576 : index
    %swap3A_218 = tpu.vector_load %arg6[%swap3A_217] {strides = array<i32>} : memref<640xf32, #tpu.memory_space<vmem>>, vector<16xf32>,
    %swap3A_219 = vector.shape_cast %swap3A_218 : vector<16xf32> to vector<16xf32>
    %swap3A_220 = vector.shape_cast %broadcast_in_dim3A_216 : vector<16xf32> to vector<16xf32>
    tpu.vector_store %arg6[%swap3A_217], %swap3A_220 {strides = array<i32>} : memref<640xf32, #tpu.memory_space<vmem>>, vector<16xf32>,
    %broadcast_in_dim3A_221 = arith.constant 0.000000e+00 : f32
    %broadcast_in_dim3A_222 = vector.broadcast %broadcast_in_dim3A_221 : f32 to vector<16xf32>
    %swap3A_223 = arith.constant 592 : index
    %swap3A_224 = tpu.vector_load %arg6[%swap3A_223] {strides = array<i32>} : memref<640xf32, #tpu.memory_space<vmem>>, vector<16xf32>,
    %swap3A_225 = vector.shape_cast %swap3A_224 : vector<16xf32> to vector<16xf32>
    %swap3A_226 = vector.shape_cast %broadcast_in_dim3A_222 : vector<16xf32> to vector<16xf32>
    tpu.vector_store %arg6[%swap3A_223], %swap3A_226 {strides = array<i32>} : memref<640xf32, #tpu.memory_space<vmem>>, vector<16xf32>,
    %broadcast_in_dim3A_227 = arith.constant 0.000000e+00 : f32
    %broadcast_in_dim3A_228 = vector.broadcast %broadcast_in_dim3A_227 : f32 to vector<16xf32>
    %swap3A_229 = arith.constant 608 : index
    %swap3A_230 = tpu.vector_load %arg6[%swap3A_229] {strides = array<i32>} : memref<640xf32, #tpu.memory_space<vmem>>, vector<16xf32>,
    %swap3A_231 = vector.shape_cast %swap3A_230 : vector<16xf32> to vector<16xf32>
    %swap3A_232 = vector.shape_cast %broadcast_in_dim3A_228 : vector<16xf32> to vector<16xf32>
    tpu.vector_store %arg6[%swap3A_229], %swap3A_232 {strides = array<i32>} : memref<640xf32, #tpu.memory_space<vmem>>, vector<16xf32>,
    %broadcast_in_dim3A_233 = arith.constant 0.000000e+00 : f32
    %broadcast_in_dim3A_234 = vector.broadcast %broadcast_in_dim3A_233 : f32 to vector<16xf32>
    %swap3A_235 = arith.constant 624 : index
    %swap3A_236 = tpu.vector_load %arg6[%swap3A_235] {strides = array<i32>} : memref<640xf32, #tpu.memory_space<vmem>>, vector<16xf32>,
    %swap3A_237 = vector.shape_cast %swap3A_236 : vector<16xf32> to vector<16xf32>
    %swap3A_238 = vector.shape_cast %broadcast_in_dim3A_234 : vector<16xf32> to vector<16xf32>
    tpu.vector_store %arg6[%swap3A_235], %swap3A_238 {strides = array<i32>} : memref<640xf32, #tpu.memory_space<vmem>>, vector<16xf32>,
    %broadcast_in_dim3A_239 = arith.constant 1.000000e+00 : f32
    %broadcast_in_dim3A_240 = vector.broadcast %broadcast_in_dim3A_239 : f32 to vector<16xf32>
    %swap3A_241 = arith.constant 0 : index
    %swap3A_242 = tpu.vector_load %arg5[%swap3A_241] {strides = array<i32>} : memref<80xf32, #tpu.memory_space<vmem>>, vector<16xf32>,
    %swap3A_243 = vector.shape_cast %swap3A_242 : vector<16xf32> to vector<16xf32>
    %swap3A_244 = vector.shape_cast %broadcast_in_dim3A_240 : vector<16xf32> to vector<16xf32>
    tpu.vector_store %arg5[%swap3A_241], %swap3A_244 {strides = array<i32>} : memref<80xf32, #tpu.memory_space<vmem>>, vector<16xf32>,
    %broadcast_in_dim3A_245 = arith.constant 1.000000e+00 : f32
    %broadcast_in_dim3A_246 = vector.broadcast %broadcast_in_dim3A_245 : f32 to vector<16xf32>
    %swap3A_247 = arith.constant 16 : index
    %swap3A_248 = tpu.vector_load %arg5[%swap3A_247] {strides = array<i32>} : memref<80xf32, #tpu.memory_space<vmem>>, vector<16xf32>,
    %swap3A_249 = vector.shape_cast %swap3A_248 : vector<16xf32> to vector<16xf32>
    %swap3A_250 = vector.shape_cast %broadcast_in_dim3A_246 : vector<16xf32> to vector<16xf32>
    tpu.vector_store %arg5[%swap3A_247], %swap3A_250 {strides = array<i32>} : memref<80xf32, #tpu.memory_space<vmem>>, vector<16xf32>,
    %broadcast_in_dim3A_251 = arith.constant 1.000000e+00 : f32
    %broadcast_in_dim3A_252 = vector.broadcast %broadcast_in_dim3A_251 : f32 to vector<16xf32>
    %swap3A_253 = arith.constant 32 : index
    %swap3A_254 = tpu.vector_load %arg5[%swap3A_253] {strides = array<i32>} : memref<80xf32, #tpu.memory_space<vmem>>, vector<16xf32>,
    %swap3A_255 = vector.shape_cast %swap3A_254 : vector<16xf32> to vector<16xf32>
    %swap3A_256 = vector.shape_cast %broadcast_in_dim3A_252 : vector<16xf32> to vector<16xf32>
    tpu.vector_store %arg5[%swap3A_253], %swap3A_256 {strides = array<i32>} : memref<80xf32, #tpu.memory_space<vmem>>, vector<16xf32>,
    %broadcast_in_dim3A_257 = arith.constant 1.000000e+00 : f32
    %broadcast_in_dim3A_258 = vector.broadcast %broadcast_in_dim3A_257 : f32 to vector<16xf32>
    %swap3A_259 = arith.constant 48 : index
    %swap3A_260 = tpu.vector_load %arg5[%swap3A_259] {strides = array<i32>} : memref<80xf32, #tpu.memory_space<vmem>>, vector<16xf32>,
    %swap3A_261 = vector.shape_cast %swap3A_260 : vector<16xf32> to vector<16xf32>
    %swap3A_262 = vector.shape_cast %broadcast_in_dim3A_258 : vector<16xf32> to vector<16xf32>
    tpu.vector_store %arg5[%swap3A_259], %swap3A_262 {strides = array<i32>} : memref<80xf32, #tpu.memory_space<vmem>>, vector<16xf32>,
    %broadcast_in_dim3A_263 = arith.constant 1.000000e+00 : f32
    %broadcast_in_dim3A_264 = vector.broadcast %broadcast_in_dim3A_263 : f32 to vector<16xf32>
    %swap3A_265 = arith.constant 64 : index
    %swap3A_266 = tpu.vector_load %arg5[%swap3A_265] {strides = array<i32>} : memref<80xf32, #tpu.memory_space<vmem>>, vector<16xf32>,
    %swap3A_267 = vector.shape_cast %swap3A_266 : vector<16xf32> to vector<16xf32>
    %swap3A_268 = vector.shape_cast %broadcast_in_dim3A_264 : vector<16xf32> to vector<16xf32>
    tpu.vector_store %arg5[%swap3A_265], %swap3A_268 {strides = array<i32>} : memref<80xf32, #tpu.memory_space<vmem>>, vector<16xf32>,
    %mul3A_269 = arith.constant 640 : i32
    %mul3A_270 = arith.muli %arg1, %mul3A_269 : i32
    "tpu.region"() ({
      %run_scoped3A = tpu.sem_alloc : memref<!tpu.dma_semaphore, #tpu.memory_space<semaphore_mem>>
      %dma_start3A = tpu.memref_slice %arg7[%mul3A_270] : memref<10240xf32, #tpu.memory_space<vmem_shared>> -> memref<640xf32, #tpu.memory_space<vmem_shared>>
      %dma_start3A_281 = tpu.memref_slice %arg7[%mul3A_270] : memref<10240xf32, #tpu.memory_space<vmem_shared>> -> memref<640xf32, #tpu.memory_space<vmem_shared>>
      tpu.enqueue_dma source(%arg6 : memref<640xf32, #tpu.memory_space<vmem>>) target(%dma_start3A_281 : memref<640xf32, #tpu.memory_space<vmem_shared>>) target_semaphore(%run_scoped3A : memref<!tpu.dma_semaphore, #tpu.memory_space<semaphore_mem>>)
      %dma_wait3A = tpu.memref_slice %arg7[%mul3A_270] : memref<10240xf32, #tpu.memory_space<vmem_shared>> -> memref<640xf32, #tpu.memory_space<vmem_shared>>
      %dma_wait3A_282 = tpu.memref_slice %arg7[%mul3A_270] : memref<10240xf32, #tpu.memory_space<vmem_shared>> -> memref<640xf32, #tpu.memory_space<vmem_shared>>
      tpu.wait_dma2 semaphore(%run_scoped3A : memref<!tpu.dma_semaphore, #tpu.memory_space<semaphore_mem>>) src(%arg6 : memref<640xf32, #tpu.memory_space<vmem>>) dst(%dma_wait3A_282 : memref<640xf32, #tpu.memory_space<vmem_shared>>)
      tpu.yield
    }) : () -> ()
    %barrier3A = arith.constant 0 : index
    tpu.barrier barrier_id(%barrier3A)
    %scan3A = arith.constant 0 : i32
    %scan3A_271 = arith.constant 0 : i32
    %scan3A_272 = arith.constant 125 : i32
    %scan3A_273 = arith.addi %scan3A_271, %scan3A_272 : i32
    %scan3A_274 = arith.constant 1 : i32
    scf.for %scan3A_281 = %scan3A_271 to %scan3A_273 step %scan3A_274  : i32 {
      "tpu.region"() ({
        %run_scoped3A = tpu.sem_alloc : memref<!tpu.dma_semaphore, #tpu.memory_space<semaphore_mem>>
        %dma_start3A = arith.constant 0 : i32
        %dma_start3A_282 = tpu.memref_slice %arg4[%scan3A_281, %dma_start3A] : memref<125x80xi32, #tpu.memory_space<vmem>> -> memref<1x80xi32, #tpu.memory_space<vmem>>
        %dma_start3A_283 = tpu.memref_squeeze %dma_start3A_282 : memref<1x80xi32, #tpu.memory_space<vmem>> -> memref<80xi32, #tpu.memory_space<vmem>>
        %dma_start3A_284 = arith.constant 0 : i32
        %dma_start3A_285 = tpu.memref_slice %arg7[%dma_start3A_284] : memref<10240xf32, #tpu.memory_space<vmem_shared>> -> memref<10240xf32, #tpu.memory_space<vmem_shared>>
        tpu.enqueue_indirect_dma source(%arg5 : memref<80xf32, #tpu.memory_space<vmem>>) target(%dma_start3A_285 : memref<10240xf32, #tpu.memory_space<vmem_shared>>) offsets(%dma_start3A_283 : memref<80xi32, #tpu.memory_space<vmem>>) semaphore(%run_scoped3A : memref<!tpu.dma_semaphore, #tpu.memory_space<semaphore_mem>>) {add = true}
        %dma_wait3A = arith.constant 0 : i32
        %dma_wait3A_286 = tpu.memref_slice %arg4[%scan3A_281, %dma_wait3A] : memref<125x80xi32, #tpu.memory_space<vmem>> -> memref<1x80xi32, #tpu.memory_space<vmem>>
        %dma_wait3A_287 = tpu.memref_squeeze %dma_wait3A_286 : memref<1x80xi32, #tpu.memory_space<vmem>> -> memref<80xi32, #tpu.memory_space<vmem>>
        %dma_wait3A_288 = arith.constant 0 : i32
        %dma_wait3A_289 = tpu.memref_slice %arg7[%dma_wait3A_288] : memref<10240xf32, #tpu.memory_space<vmem_shared>> -> memref<10240xf32, #tpu.memory_space<vmem_shared>>
        tpu.wait_indirect_dma semaphore(%run_scoped3A : memref<!tpu.dma_semaphore, #tpu.memory_space<semaphore_mem>>) src(%arg5 : memref<80xf32, #tpu.memory_space<vmem>>) dst(%dma_wait3A_289 : memref<10240xf32, #tpu.memory_space<vmem_shared>>)
        tpu.yield
      }) : () -> ()
    }
    %scan3A_275 = arith.constant 125 : i32
    %barrier3A_276 = arith.constant 0 : index
    tpu.barrier barrier_id(%barrier3A_276)
    %mul3A_277 = arith.constant 640 : i32
    %mul3A_278 = arith.muli %arg1, %mul3A_277 : i32
    %mul3A_279 = arith.constant 640 : i32
    %mul3A_280 = arith.muli %arg1, %mul3A_279 : i32
    "tpu.region"() ({
      %run_scoped3A = tpu.sem_alloc : memref<!tpu.dma_semaphore, #tpu.memory_space<semaphore_mem>>
      %dma_start3A = tpu.memref_slice %arg3[%arg0, %mul3A_280] : memref<2x10240xf32, #tpu.memory_space<hbm>> -> memref<1x640xf32, #tpu.memory_space<hbm>>
      %dma_start3A_281 = tpu.memref_squeeze %dma_start3A : memref<1x640xf32, #tpu.memory_space<hbm>> -> memref<640xf32, #tpu.memory_space<hbm>>
      %dma_start3A_282 = tpu.memref_slice %arg7[%mul3A_278] : memref<10240xf32, #tpu.memory_space<vmem_shared>> -> memref<640xf32, #tpu.memory_space<vmem_shared>>
      tpu.enqueue_dma source(%dma_start3A_282 : memref<640xf32, #tpu.memory_space<vmem_shared>>) target(%dma_start3A_281 : memref<640xf32, #tpu.memory_space<hbm>>) target_semaphore(%run_scoped3A : memref<!tpu.dma_semaphore, #tpu.memory_space<semaphore_mem>>)
      %dma_wait3A = tpu.memref_slice %arg3[%arg0, %mul3A_280] : memref<2x10240xf32, #tpu.memory_space<hbm>> -> memref<1x640xf32, #tpu.memory_space<hbm>>
      %dma_wait3A_283 = tpu.memref_squeeze %dma_wait3A : memref<1x640xf32, #tpu.memory_space<hbm>> -> memref<640xf32, #tpu.memory_space<hbm>>
      %dma_wait3A_284 = tpu.memref_slice %arg7[%mul3A_278] : memref<10240xf32, #tpu.memory_space<vmem_shared>> -> memref<640xf32, #tpu.memory_space<vmem_shared>>
      tpu.wait_dma2 semaphore(%run_scoped3A : memref<!tpu.dma_semaphore, #tpu.memory_space<semaphore_mem>>) src(%dma_wait3A_284 : memref<640xf32, #tpu.memory_space<vmem_shared>>) dst(%dma_wait3A_283 : memref<640xf32, #tpu.memory_space<hbm>>)
      tpu.yield
    }) : () -> ()
    return
  }
}

#map = affine_map<(d0, d1) -> (0, 0, 0)>
#map1 = affine_map<(d0, d1) -> (0, 0)>
module attributes {stable_mosaic.version = 14 : i64} {
  func.func @_edge_kernel(%arg0: i32, %arg1: i32, %arg2: memref<32x80x125xi32, #tpu.memory_space<hbm>>, %arg3: memref<32x80x125xi32, #tpu.memory_space<hbm>>, %arg4: memref<10240x128xf32, #tpu.memory_space<hbm>>, %arg5: memref<2x10240x128xf32, #tpu.memory_space<hbm>>, %arg6: memref<10240x128xf32, #tpu.memory_space<vmem_shared>>, %arg7: memref<80x125xi32, #tpu.memory_space<vmem>>, %arg8: memref<80x125xi32, #tpu.memory_space<vmem>>, %arg9: memref<125x128xf32, #tpu.memory_space<vmem>>) attributes {dimension_semantics = [#tpu.dimension_semantics<core_parallel>, #tpu.dimension_semantics<subcore_parallel>], iteration_bounds = array<i64: 2, 16>, scalar_prefetch = 0 : i64, scratch_operands = 4 : i64, tpu.core_type = #tpu.core_type<sc_vector_subcore>, window_params = [{transform_indices = #map}, {transform_indices = #map}, {transform_indices = #map1}, {transform_indices = #map}]} {
    %mul3A = arith.constant 2 : i32
    %mul3A_0 = arith.muli %arg1, %mul3A : i32
    %add3A = arith.addi %mul3A_0, %arg0 : i32
    "tpu.region"() ({
      %run_scoped3A = tpu.sem_alloc : memref<!tpu.dma_semaphore, #tpu.memory_space<semaphore_mem>>
      %dma_start3A = arith.constant 0 : i32
      %dma_start3A_15 = arith.constant 0 : i32
      %dma_start3A_16 = tpu.memref_slice %arg2[%add3A, %dma_start3A, %dma_start3A_15] : memref<32x80x125xi32, #tpu.memory_space<hbm>> -> memref<1x80x125xi32, #tpu.memory_space<hbm>>
      %dma_start3A_17 = tpu.memref_squeeze %dma_start3A_16 : memref<1x80x125xi32, #tpu.memory_space<hbm>> -> memref<80x125xi32, #tpu.memory_space<hbm>>
      %dma_start3A_18 = arith.constant 0 : i32
      %dma_start3A_19 = arith.constant 0 : i32
      %dma_start3A_20 = tpu.memref_slice %arg2[%add3A, %dma_start3A_18, %dma_start3A_19] : memref<32x80x125xi32, #tpu.memory_space<hbm>> -> memref<1x80x125xi32, #tpu.memory_space<hbm>>
      %dma_start3A_21 = tpu.memref_squeeze %dma_start3A_20 : memref<1x80x125xi32, #tpu.memory_space<hbm>> -> memref<80x125xi32, #tpu.memory_space<hbm>>
      tpu.enqueue_dma source(%dma_start3A_21 : memref<80x125xi32, #tpu.memory_space<hbm>>) target(%arg7 : memref<80x125xi32, #tpu.memory_space<vmem>>) target_semaphore(%run_scoped3A : memref<!tpu.dma_semaphore, #tpu.memory_space<semaphore_mem>>)
      %dma_wait3A = arith.constant 0 : i32
      %dma_wait3A_22 = arith.constant 0 : i32
      %dma_wait3A_23 = tpu.memref_slice %arg2[%add3A, %dma_wait3A, %dma_wait3A_22] : memref<32x80x125xi32, #tpu.memory_space<hbm>> -> memref<1x80x125xi32, #tpu.memory_space<hbm>>
      %dma_wait3A_24 = tpu.memref_squeeze %dma_wait3A_23 : memref<1x80x125xi32, #tpu.memory_space<hbm>> -> memref<80x125xi32, #tpu.memory_space<hbm>>
      %dma_wait3A_25 = arith.constant 0 : i32
      %dma_wait3A_26 = arith.constant 0 : i32
      %dma_wait3A_27 = tpu.memref_slice %arg2[%add3A, %dma_wait3A_25, %dma_wait3A_26] : memref<32x80x125xi32, #tpu.memory_space<hbm>> -> memref<1x80x125xi32, #tpu.memory_space<hbm>>
      %dma_wait3A_28 = tpu.memref_squeeze %dma_wait3A_27 : memref<1x80x125xi32, #tpu.memory_space<hbm>> -> memref<80x125xi32, #tpu.memory_space<hbm>>
      tpu.wait_dma2 semaphore(%run_scoped3A : memref<!tpu.dma_semaphore, #tpu.memory_space<semaphore_mem>>) src(%dma_wait3A_28 : memref<80x125xi32, #tpu.memory_space<hbm>>) dst(%arg7 : memref<80x125xi32, #tpu.memory_space<vmem>>)
      tpu.yield
    }) : () -> ()
    "tpu.region"() ({
      %run_scoped3A = tpu.sem_alloc : memref<!tpu.dma_semaphore, #tpu.memory_space<semaphore_mem>>
      %dma_start3A = arith.constant 0 : i32
      %dma_start3A_15 = arith.constant 0 : i32
      %dma_start3A_16 = tpu.memref_slice %arg3[%add3A, %dma_start3A, %dma_start3A_15] : memref<32x80x125xi32, #tpu.memory_space<hbm>> -> memref<1x80x125xi32, #tpu.memory_space<hbm>>
      %dma_start3A_17 = tpu.memref_squeeze %dma_start3A_16 : memref<1x80x125xi32, #tpu.memory_space<hbm>> -> memref<80x125xi32, #tpu.memory_space<hbm>>
      %dma_start3A_18 = arith.constant 0 : i32
      %dma_start3A_19 = arith.constant 0 : i32
      %dma_start3A_20 = tpu.memref_slice %arg3[%add3A, %dma_start3A_18, %dma_start3A_19] : memref<32x80x125xi32, #tpu.memory_space<hbm>> -> memref<1x80x125xi32, #tpu.memory_space<hbm>>
      %dma_start3A_21 = tpu.memref_squeeze %dma_start3A_20 : memref<1x80x125xi32, #tpu.memory_space<hbm>> -> memref<80x125xi32, #tpu.memory_space<hbm>>
      tpu.enqueue_dma source(%dma_start3A_21 : memref<80x125xi32, #tpu.memory_space<hbm>>) target(%arg8 : memref<80x125xi32, #tpu.memory_space<vmem>>) target_semaphore(%run_scoped3A : memref<!tpu.dma_semaphore, #tpu.memory_space<semaphore_mem>>)
      %dma_wait3A = arith.constant 0 : i32
      %dma_wait3A_22 = arith.constant 0 : i32
      %dma_wait3A_23 = tpu.memref_slice %arg3[%add3A, %dma_wait3A, %dma_wait3A_22] : memref<32x80x125xi32, #tpu.memory_space<hbm>> -> memref<1x80x125xi32, #tpu.memory_space<hbm>>
      %dma_wait3A_24 = tpu.memref_squeeze %dma_wait3A_23 : memref<1x80x125xi32, #tpu.memory_space<hbm>> -> memref<80x125xi32, #tpu.memory_space<hbm>>
      %dma_wait3A_25 = arith.constant 0 : i32
      %dma_wait3A_26 = arith.constant 0 : i32
      %dma_wait3A_27 = tpu.memref_slice %arg3[%add3A, %dma_wait3A_25, %dma_wait3A_26] : memref<32x80x125xi32, #tpu.memory_space<hbm>> -> memref<1x80x125xi32, #tpu.memory_space<hbm>>
      %dma_wait3A_28 = tpu.memref_squeeze %dma_wait3A_27 : memref<1x80x125xi32, #tpu.memory_space<hbm>> -> memref<80x125xi32, #tpu.memory_space<hbm>>
      tpu.wait_dma2 semaphore(%run_scoped3A : memref<!tpu.dma_semaphore, #tpu.memory_space<semaphore_mem>>) src(%dma_wait3A_28 : memref<80x125xi32, #tpu.memory_space<hbm>>) dst(%arg8 : memref<80x125xi32, #tpu.memory_space<vmem>>)
      tpu.yield
    }) : () -> ()
    %mul3A_1 = arith.constant 640 : i32
    %mul3A_2 = arith.muli %arg1, %mul3A_1 : i32
    %mul3A_3 = arith.constant 640 : i32
    %mul3A_4 = arith.muli %arg1, %mul3A_3 : i32
    "tpu.region"() ({
      %run_scoped3A = tpu.sem_alloc : memref<!tpu.dma_semaphore, #tpu.memory_space<semaphore_mem>>
      %dma_start3A = arith.constant 0 : i32
      %dma_start3A_15 = tpu.memref_slice %arg6[%mul3A_4, %dma_start3A] : memref<10240x128xf32, #tpu.memory_space<vmem_shared>> -> memref<640x128xf32, #tpu.memory_space<vmem_shared>>
      %dma_start3A_16 = arith.constant 0 : i32
      %dma_start3A_17 = tpu.memref_slice %arg4[%mul3A_2, %dma_start3A_16] : memref<10240x128xf32, #tpu.memory_space<hbm>> -> memref<640x128xf32, #tpu.memory_space<hbm>>
      tpu.enqueue_dma source(%dma_start3A_17 : memref<640x128xf32, #tpu.memory_space<hbm>>) target(%dma_start3A_15 : memref<640x128xf32, #tpu.memory_space<vmem_shared>>) target_semaphore(%run_scoped3A : memref<!tpu.dma_semaphore, #tpu.memory_space<semaphore_mem>>)
      %dma_wait3A = arith.constant 0 : i32
      %dma_wait3A_18 = tpu.memref_slice %arg6[%mul3A_4, %dma_wait3A] : memref<10240x128xf32, #tpu.memory_space<vmem_shared>> -> memref<640x128xf32, #tpu.memory_space<vmem_shared>>
      %dma_wait3A_19 = arith.constant 0 : i32
      %dma_wait3A_20 = tpu.memref_slice %arg4[%mul3A_2, %dma_wait3A_19] : memref<10240x128xf32, #tpu.memory_space<hbm>> -> memref<640x128xf32, #tpu.memory_space<hbm>>
      tpu.wait_dma2 semaphore(%run_scoped3A : memref<!tpu.dma_semaphore, #tpu.memory_space<semaphore_mem>>) src(%dma_wait3A_20 : memref<640x128xf32, #tpu.memory_space<hbm>>) dst(%dma_wait3A_18 : memref<640x128xf32, #tpu.memory_space<vmem_shared>>)
      tpu.yield
    }) : () -> ()
    %barrier3A = arith.constant 0 : index
    tpu.barrier barrier_id(%barrier3A)
    %scan3A = arith.constant 0 : i32
    %scan3A_5 = arith.constant 0 : i32
    %scan3A_6 = arith.constant 80 : i32
    %scan3A_7 = arith.addi %scan3A_5, %scan3A_6 : i32
    %scan3A_8 = arith.constant 1 : i32
    scf.for %scan3A_15 = %scan3A_5 to %scan3A_7 step %scan3A_8  : i32 {
      "tpu.region"() ({
        %run_scoped3A = tpu.sem_alloc : memref<!tpu.dma_semaphore, #tpu.memory_space<semaphore_mem>>
        %dma_start3A = arith.constant 0 : i32
        %dma_start3A_16 = tpu.memref_slice %arg7[%scan3A_15, %dma_start3A] : memref<80x125xi32, #tpu.memory_space<vmem>> -> memref<1x125xi32, #tpu.memory_space<vmem>>
        %dma_start3A_17 = tpu.memref_squeeze %dma_start3A_16 : memref<1x125xi32, #tpu.memory_space<vmem>> -> memref<125xi32, #tpu.memory_space<vmem>>
        %dma_start3A_18 = arith.constant 0 : i32
        %dma_start3A_19 = arith.constant 0 : i32
        %dma_start3A_20 = tpu.memref_slice %arg4[%dma_start3A_18, %dma_start3A_19] : memref<10240x128xf32, #tpu.memory_space<hbm>> -> memref<10240x128xf32, #tpu.memory_space<hbm>>
        tpu.enqueue_indirect_dma source(%dma_start3A_20 : memref<10240x128xf32, #tpu.memory_space<hbm>>) target(%arg9 : memref<125x128xf32, #tpu.memory_space<vmem>>) offsets(%dma_start3A_17 : memref<125xi32, #tpu.memory_space<vmem>>) semaphore(%run_scoped3A : memref<!tpu.dma_semaphore, #tpu.memory_space<semaphore_mem>>)
        %dma_wait3A = arith.constant 0 : i32
        %dma_wait3A_21 = tpu.memref_slice %arg7[%scan3A_15, %dma_wait3A] : memref<80x125xi32, #tpu.memory_space<vmem>> -> memref<1x125xi32, #tpu.memory_space<vmem>>
        %dma_wait3A_22 = tpu.memref_squeeze %dma_wait3A_21 : memref<1x125xi32, #tpu.memory_space<vmem>> -> memref<125xi32, #tpu.memory_space<vmem>>
        %dma_wait3A_23 = arith.constant 0 : i32
        %dma_wait3A_24 = arith.constant 0 : i32
        %dma_wait3A_25 = tpu.memref_slice %arg4[%dma_wait3A_23, %dma_wait3A_24] : memref<10240x128xf32, #tpu.memory_space<hbm>> -> memref<10240x128xf32, #tpu.memory_space<hbm>>
        tpu.wait_indirect_dma semaphore(%run_scoped3A : memref<!tpu.dma_semaphore, #tpu.memory_space<semaphore_mem>>) src(%dma_wait3A_25 : memref<10240x128xf32, #tpu.memory_space<hbm>>) dst(%arg9 : memref<125x128xf32, #tpu.memory_space<vmem>>)
        tpu.yield
      }) : () -> ()
      "tpu.region"() ({
        %run_scoped3A = tpu.sem_alloc : memref<!tpu.dma_semaphore, #tpu.memory_space<semaphore_mem>>
        %dma_start3A = arith.constant 0 : i32
        %dma_start3A_16 = tpu.memref_slice %arg8[%scan3A_15, %dma_start3A] : memref<80x125xi32, #tpu.memory_space<vmem>> -> memref<1x125xi32, #tpu.memory_space<vmem>>
        %dma_start3A_17 = tpu.memref_squeeze %dma_start3A_16 : memref<1x125xi32, #tpu.memory_space<vmem>> -> memref<125xi32, #tpu.memory_space<vmem>>
        %dma_start3A_18 = arith.constant 0 : i32
        %dma_start3A_19 = arith.constant 0 : i32
        %dma_start3A_20 = tpu.memref_slice %arg6[%dma_start3A_18, %dma_start3A_19] : memref<10240x128xf32, #tpu.memory_space<vmem_shared>> -> memref<10240x128xf32, #tpu.memory_space<vmem_shared>>
        tpu.enqueue_indirect_dma source(%arg9 : memref<125x128xf32, #tpu.memory_space<vmem>>) target(%dma_start3A_20 : memref<10240x128xf32, #tpu.memory_space<vmem_shared>>) offsets(%dma_start3A_17 : memref<125xi32, #tpu.memory_space<vmem>>) semaphore(%run_scoped3A : memref<!tpu.dma_semaphore, #tpu.memory_space<semaphore_mem>>) {add = true}
        %dma_wait3A = arith.constant 0 : i32
        %dma_wait3A_21 = tpu.memref_slice %arg8[%scan3A_15, %dma_wait3A] : memref<80x125xi32, #tpu.memory_space<vmem>> -> memref<1x125xi32, #tpu.memory_space<vmem>>
        %dma_wait3A_22 = tpu.memref_squeeze %dma_wait3A_21 : memref<1x125xi32, #tpu.memory_space<vmem>> -> memref<125xi32, #tpu.memory_space<vmem>>
        %dma_wait3A_23 = arith.constant 0 : i32
        %dma_wait3A_24 = arith.constant 0 : i32
        %dma_wait3A_25 = tpu.memref_slice %arg6[%dma_wait3A_23, %dma_wait3A_24] : memref<10240x128xf32, #tpu.memory_space<vmem_shared>> -> memref<10240x128xf32, #tpu.memory_space<vmem_shared>>
        tpu.wait_indirect_dma semaphore(%run_scoped3A : memref<!tpu.dma_semaphore, #tpu.memory_space<semaphore_mem>>) src(%arg9 : memref<125x128xf32, #tpu.memory_space<vmem>>) dst(%dma_wait3A_25 : memref<10240x128xf32, #tpu.memory_space<vmem_shared>>)
        tpu.yield
      }) : () -> ()
    }
    %scan3A_9 = arith.constant 80 : i32
    %barrier3A_10 = arith.constant 0 : index
    tpu.barrier barrier_id(%barrier3A_10)
    %mul3A_11 = arith.constant 640 : i32
    %mul3A_12 = arith.muli %arg1, %mul3A_11 : i32
    %mul3A_13 = arith.constant 640 : i32
    %mul3A_14 = arith.muli %arg1, %mul3A_13 : i32
    "tpu.region"() ({
      %run_scoped3A = tpu.sem_alloc : memref<!tpu.dma_semaphore, #tpu.memory_space<semaphore_mem>>
      %dma_start3A = arith.constant 0 : i32
      %dma_start3A_15 = tpu.memref_slice %arg5[%arg0, %mul3A_14, %dma_start3A] : memref<2x10240x128xf32, #tpu.memory_space<hbm>> -> memref<1x640x128xf32, #tpu.memory_space<hbm>>
      %dma_start3A_16 = tpu.memref_squeeze %dma_start3A_15 : memref<1x640x128xf32, #tpu.memory_space<hbm>> -> memref<640x128xf32, #tpu.memory_space<hbm>>
      %dma_start3A_17 = arith.constant 0 : i32
      %dma_start3A_18 = tpu.memref_slice %arg6[%mul3A_12, %dma_start3A_17] : memref<10240x128xf32, #tpu.memory_space<vmem_shared>> -> memref<640x128xf32, #tpu.memory_space<vmem_shared>>
      tpu.enqueue_dma source(%dma_start3A_18 : memref<640x128xf32, #tpu.memory_space<vmem_shared>>) target(%dma_start3A_16 : memref<640x128xf32, #tpu.memory_space<hbm>>) target_semaphore(%run_scoped3A : memref<!tpu.dma_semaphore, #tpu.memory_space<semaphore_mem>>)
      %dma_wait3A = arith.constant 0 : i32
      %dma_wait3A_19 = tpu.memref_slice %arg5[%arg0, %mul3A_14, %dma_wait3A] : memref<2x10240x128xf32, #tpu.memory_space<hbm>> -> memref<1x640x128xf32, #tpu.memory_space<hbm>>
      %dma_wait3A_20 = tpu.memref_squeeze %dma_wait3A_19 : memref<1x640x128xf32, #tpu.memory_space<hbm>> -> memref<640x128xf32, #tpu.memory_space<hbm>>
      %dma_wait3A_21 = arith.constant 0 : i32
      %dma_wait3A_22 = tpu.memref_slice %arg6[%mul3A_12, %dma_wait3A_21] : memref<10240x128xf32, #tpu.memory_space<vmem_shared>> -> memref<640x128xf32, #tpu.memory_space<vmem_shared>>
      tpu.wait_dma2 semaphore(%run_scoped3A : memref<!tpu.dma_semaphore, #tpu.memory_space<semaphore_mem>>) src(%dma_wait3A_22 : memref<640x128xf32, #tpu.memory_space<vmem_shared>>) dst(%dma_wait3A_20 : memref<640x128xf32, #tpu.memory_space<hbm>>)
      tpu.yield
    }) : () -> ()
    return
  }
}

module attributes {stable_mosaic.version = 14 : i64} {
  func.func @_scale_body(%arg0: memref<10000x1xf32, #tpu.memory_space<vmem>>, %arg1: memref<10000x128xf32, #tpu.memory_space<vmem>>, %arg2: memref<10240x1xf32, #tpu.memory_space<vmem>>, %arg3: memref<10240x128xf32, #tpu.memory_space<vmem>>) attributes {dimension_semantics = [], scalar_prefetch = 0 : i64, scratch_operands = 0 : i64, tpu.core_type = #tpu.core_type<tc>} {
    %get3A = arith.constant 0 : index
    %get3A_0 = arith.constant 0 : index
    %get3A_1 = vector.load %arg0[%get3A, %get3A_0] : memref<10000x1xf32, #tpu.memory_space<vmem>>, vector<10000x1xf32>
    %rsqrt3A = math.rsqrt %get3A_1 : vector<10000x1xf32>
    %broadcast_in_dim3A = arith.constant 1.000000e+00 : f32
    %broadcast_in_dim3A_2 = vector.broadcast %broadcast_in_dim3A : f32 to vector<240x1xf32>
    %concatenate3A = tpu.concatenate %rsqrt3A, %broadcast_in_dim3A_2 in 0 : vector<10000x1xf32>, vector<240x1xf32> -> vector<10240x1xf32>
    %swap3A = arith.constant 0 : index
    %swap3A_3 = arith.constant 0 : index
    %swap3A_4 = vector.load %arg2[%swap3A, %swap3A_3] : memref<10240x1xf32, #tpu.memory_space<vmem>>, vector<10240x1xf32>
    tpu.vector_store %arg2[%swap3A, %swap3A_3], %concatenate3A {strides = array<i32>} : memref<10240x1xf32, #tpu.memory_space<vmem>>, vector<10240x1xf32>,
    %get3A_5 = arith.constant 0 : index
    %get3A_6 = arith.constant 0 : index
    %get3A_7 = vector.load %arg1[%get3A_5, %get3A_6] : memref<10000x128xf32, #tpu.memory_space<vmem>>, vector<10000x128xf32>
    %mul3A = vector.broadcast %rsqrt3A : vector<10000x1xf32> to vector<10000x128xf32>
    %mul3A_8 = arith.mulf %get3A_7, %mul3A : vector<10000x128xf32>
    %broadcast_in_dim3A_9 = arith.constant 0.000000e+00 : f32
    %broadcast_in_dim3A_10 = vector.broadcast %broadcast_in_dim3A_9 : f32 to vector<240x128xf32>
    %concatenate3A_11 = tpu.concatenate %mul3A_8, %broadcast_in_dim3A_10 in 0 : vector<10000x128xf32>, vector<240x128xf32> -> vector<10240x128xf32>
    %swap3A_12 = arith.constant 0 : index
    %swap3A_13 = arith.constant 0 : index
    %swap3A_14 = vector.load %arg3[%swap3A_12, %swap3A_13] : memref<10240x128xf32, #tpu.memory_space<vmem>>, vector<10240x128xf32>
    tpu.vector_store %arg3[%swap3A_12, %swap3A_13], %concatenate3A_11 {strides = array<i32>} : memref<10240x128xf32, #tpu.memory_space<vmem>>, vector<10240x128xf32>,
    return
  }
}

module attributes {stable_mosaic.version = 14 : i64} {
  func.func @_out_body(%arg0: memref<2x10240x128xf32, #tpu.memory_space<vmem>>, %arg1: memref<10240x128xf32, #tpu.memory_space<vmem>>, %arg2: memref<10240x1xf32, #tpu.memory_space<vmem>>, %arg3: memref<128x128xf32, #tpu.memory_space<vmem>>, %arg4: memref<1x128xf32, #tpu.memory_space<vmem>>, %arg5: memref<10000x128xf32, #tpu.memory_space<vmem>>) attributes {dimension_semantics = [], scalar_prefetch = 0 : i64, scratch_operands = 0 : i64, tpu.core_type = #tpu.core_type<tc>} {
    %get3A = arith.constant 0 : index
    %get3A_0 = arith.constant 0 : index
    %get3A_1 = arith.constant 0 : index
    %get3A_2 = vector.load %arg0[%get3A, %get3A_0, %get3A_1] : memref<2x10240x128xf32, #tpu.memory_space<vmem>>, vector<1x10240x128xf32>
    %get3A_3 = vector.shape_cast %get3A_2 : vector<1x10240x128xf32> to vector<10240x128xf32>
    %get3A_4 = arith.constant 1 : index
    %get3A_5 = arith.constant 0 : index
    %get3A_6 = arith.constant 0 : index
    %get3A_7 = vector.load %arg0[%get3A_4, %get3A_5, %get3A_6] : memref<2x10240x128xf32, #tpu.memory_space<vmem>>, vector<1x10240x128xf32>
    %get3A_8 = vector.shape_cast %get3A_7 : vector<1x10240x128xf32> to vector<10240x128xf32>
    %add3A = arith.addf %get3A_3, %get3A_8 : vector<10240x128xf32>
    %get3A_9 = arith.constant 0 : index
    %get3A_10 = arith.constant 0 : index
    %get3A_11 = vector.load %arg1[%get3A_9, %get3A_10] : memref<10240x128xf32, #tpu.memory_space<vmem>>, vector<10240x128xf32>
    %sub3A = arith.subf %add3A, %get3A_11 : vector<10240x128xf32>
    %get3A_12 = arith.constant 0 : index
    %get3A_13 = arith.constant 0 : index
    %get3A_14 = vector.load %arg2[%get3A_12, %get3A_13] : memref<10240x1xf32, #tpu.memory_space<vmem>>, vector<10240x1xf32>
    %mul3A = vector.broadcast %get3A_14 : vector<10240x1xf32> to vector<10240x128xf32>
    %mul3A_15 = arith.mulf %sub3A, %mul3A : vector<10240x128xf32>
    %get3A_16 = arith.constant 0 : index
    %get3A_17 = arith.constant 0 : index
    %get3A_18 = vector.load %arg3[%get3A_16, %get3A_17] : memref<128x128xf32, #tpu.memory_space<vmem>>, vector<128x128xf32>
    %dot_general3A = arith.constant dense<0.000000e+00> : vector<10240x128xf32>
    %dot_general3A_19 = tpu.matmul %mul3A_15, %get3A_18, %dot_general3A {dimension_numbers = #tpu.dot_dimension_numbers<[1], [0], [0], [1], [0, 0, 1, 1], [], []>, transpose_lhs_hint = false} : vector<10240x128xf32>, vector<128x128xf32>, vector<10240x128xf32> -> vector<10240x128xf32>
    %slice3A = vector.extract_strided_slice %dot_general3A_19 {offsets = [0, 0], sizes = [10000, 128], strides = [1, 1]} : vector<10240x128xf32> to vector<10000x128xf32>
    %get3A_20 = arith.constant 0 : index
    %get3A_21 = arith.constant 0 : index
    %get3A_22 = vector.load %arg4[%get3A_20, %get3A_21] : memref<1x128xf32, #tpu.memory_space<vmem>>, vector<1x128xf32>
    %add3A_23 = vector.broadcast %get3A_22 : vector<1x128xf32> to vector<10000x128xf32>
    %add3A_24 = arith.addf %slice3A, %add3A_23 : vector<10000x128xf32>
    %swap3A = arith.constant 0 : index
    %swap3A_25 = arith.constant 0 : index
    %swap3A_26 = vector.load %arg5[%swap3A, %swap3A_25] : memref<10000x128xf32, #tpu.memory_space<vmem>>, vector<10000x128xf32>
    tpu.vector_store %arg5[%swap3A, %swap3A_25], %add3A_24 {strides = array<i32>} : memref<10000x128xf32, #tpu.memory_space<vmem>>, vector<10000x128xf32>,
    return
  }
}

</mosaic_0001>

<sc_bundles>
// kernel: kernel.6.cloned.1.call-start
scs
__scs_entry_jumppad:
0x0: {  	(pc) =	sbr.rel $0x88, $3  }
0x1: {  	(tag) =	ssettag $0x0;
	lr =	simm.s32 $0x1  }
0x2: {  	[smem:$0x3F9D] =	sst lr;
	_ =	strace $0xD0000000  }
0x3: {  	_ = 	snop  }
0x4: {  	_ = 	snop  }
0x5: {  	_ = 	snop  }
0x6: {  	_ = 	snop  }
0x7: {  	_ = 	snop  }
__scs_overlays_trampoline_lowered:
0x8: {  	[smem:$0x3FAC] =	sst s0  }
0x9: {  	[smem:$0x3FAD] =	sst s1  }
0xa: {  	[smem:$0x3FAE] =	sst s2  }
0xb: {  	[smem:$0x3FAF] =	sst s3  }
0xc: {  	[smem:$0x3FB0] =	sst s4  }
0xd: {  	[smem:$0x3FB1] =	sst s5  }
0xe: {  	[smem:$0x3FB2] =	sst s6  }
0xf: {  	[smem:$0x3FB3] =	sst s7  }
0x10: {  	[smem:$0x3FB4] =	sst s8  }
0x11: {  	[smem:$0x3FB5] =	sst s9;
	s0 =	simm.s32 @!p0 $0x0  }
0x12: {  	s1 =	sld [smem:$0x3F9B];
	s0 =	simm.s32 @p0 $0x1  }
0x13: {  	[smem:$0x3FB6] =	sst s0;
	s0 =	simm.s32 @!p1 $0x0  }
0x14: {  	s2 =	sld [smem:$0x3F9A];
	s0 =	simm.s32 @p1 $0x1  }
0x15: {  	[smem:$0x3FB7] =	sst s0;
	s0 =	simm.s32 @!p2 $0x0  }
0x16: {  	s3 =	sld [smem:$0x3FDB];
	s0 =	simm.s32 @p2 $0x1  }
0x17: {  	s4 =	simm.s32 $0x1BF5;
	[smem:$0x3FB9] =	sst s0  }
0x18: {  	s0 =	sld [smem:$0x3F9C];
	_ =	swait.ge [sflag:s4], $0x0  }
0x19: {  	s7 =	sld [smem:$0x3F9D]  }
0x1a: {  	s8 =	sadd.s32 $0xFFFFE003, lr  }
0x1b: {  	s9 =	sadd.s32 $0xFFFFFEF7, lr;
	s5 =	simm.s32 $0xFFFFFFFF;
	p2 =	slt.u32 s8, $0xFFFFF086  }
0x1c: {  	p1 =	slt.u32 s9, $0xF7A;
	s5 =	simm.s32 @!p2 $0x0  }
0x1d: {  	s5 =	simm.s32 @p1 $0x1;
	p0 =	seq.s32 s7, s2  }
0x1e: {  	s7 =	smul.u32 @!p0 $0xF7A, s2;
	p2 =	seq.s32 @!p0 s5, $0x0  }
0x1f: {  	s9 =	smul.u32 $0xF7A, s1;
	s8 =	simm.s32 @!p0 $0x1BF5;
	p2 =	por !p2, p0  }
0x20: {  	[sflag:s8] =	ssyncset.s32 @!p0 $0xFFFFF086;
	s6 =	sadd.s32 @!p0 s3, s7;
	s7 =	simm.s32 @!p0 $0x108  }
0x21: {  	s3 =	sadd.s32 s3, s9;
	s6 =	sadd.s32 @!p0 $0x88, s6;
	s7 =	simm.s32 @p2 $0x1082  }
0x22: {  	[simem:s7], [sflag:s8] =	dma.local @!p0 [hbm:s6], $0xF7A  }
0x23: {  	s9 =	sor.u32 $0xD0000000, s2;
	s6 =	simm.s32 $0x108;
	_ =	swait.ge @!p0 [sflag:s8], $0x0  }
0x24: {  	s3 =	sadd.s32 $0x88, s3;
	s6 =	simm.s32 @!p1 $0x1082;
	[sflag:s4] =	ssyncset.s32 $0xFFFFF086  }
0x25: {  	[simem:s6], [sflag:s4] =	dma.local [hbm:s3], $0xF7A  }
0x26: {  	[smem:$0x3F9D] =	sst s1;
	(tag) =	ssettag s2;
	_ =	strace s9  }
0x27: {  	s1 =	sld [smem:$0x3FAD]  }
0x28: {  	s2 =	sld [smem:$0x3FAE]  }
0x29: {  	s4 =	sld [smem:$0x3FB0]  }
0x2a: {  	p0 =	seq.s32 s5, $0x0;
	s5 =	sld [smem:$0x3FB1]  }
0x2b: {  	s6 =	sld [smem:$0x3FB2]  }
0x2c: {  	s7 =	sld [smem:$0x3FB3]  }
0x2d: {  	s3 =	simm.s32 $0x108;
	s8 =	sld [smem:$0x3FB4]  }
0x2e: {  	s3 =	simm.s32 @!p0 $0x1082;
	s9 =	sld [smem:$0x3FB5]  }
0x2f: {  	lr =	sadd.s32 s0, s3;
	s0 =	sld [smem:$0x3FAC]  }
0x30: {  	s3 =	sld [smem:$0x3FAF]  }
0x31: {  	[smem:$0x3FB8] =	sst s10  }
0x32: {  	s10 =	sld [smem:$0x3FB6];
	_ =	sdelay $0x3  }
0x33: {  	p0 =	seq.s32 s10, $0x1;
	s10 =	sld [smem:$0x3FB8];
	_ =	sdelay $0x3  }
0x34: {  	[smem:$0x3FB8] =	sst s10  }
0x35: {  	s10 =	sld [smem:$0x3FB7];
	_ =	sdelay $0x3  }
0x36: {  	p1 =	seq.s32 s10, $0x1;
	s10 =	sld [smem:$0x3FB8];
	_ =	sdelay $0x3  }
0x37: {  	[smem:$0x3FB8] =	sst s10  }
0x38: {  	s10 =	sld [smem:$0x3FB9]  }
0x39: {  	_ = 	snop;
	(pc) =	sbr.ind lr, $3  }
0x3a: {  	_ = 	snop  }
0x3b: {  	_ = 	snop  }
0x3c: {  	p2 =	seq.s32 s10, $0x1;
	s10 =	sld [smem:$0x3FB8]  }
0x3d: {  	_ =	shalt  }
0x3e: {  	_ =	shalt  }
0x3f: {  	_ =	shalt  }
0x40: {  	_ =	shalt  }
0x41: {  	_ =	shalt  }
0x42: {  	_ =	shalt  }
0x43: {  	_ =	shalt  }
0x44: {  	_ =	shalt  }
0x45: {  	_ =	shalt  }
0x46: {  	_ =	shalt  }
0x47: {  	_ =	shalt  }
0x48: {  	_ =	shalt  }
0x49: {  	_ =	shalt  }
0x4a: {  	_ =	shalt  }
0x4b: {  	_ =	shalt  }
0x4c: {  	_ =	shalt  }
0x4d: {  	_ =	shalt  }
0x4e: {  	_ =	shalt  }
0x4f: {  	_ =	shalt  }
0x50: {  	_ =	shalt  }
0x51: {  	_ =	shalt  }
0x52: {  	_ =	shalt  }
0x53: {  	_ =	shalt  }
0x54: {  	_ =	shalt  }
0x55: {  	_ =	shalt  }
0x56: {  	_ =	shalt  }
0x57: {  	_ =	shalt  }
0x58: {  	_ =	shalt  }
0x59: {  	_ =	shalt  }
0x5a: {  	_ =	shalt  }
0x5b: {  	_ =	shalt  }
0x5c: {  	_ =	shalt  }
0x5d: {  	_ =	shalt  }
0x5e: {  	_ =	shalt  }
0x5f: {  	_ =	shalt  }
0x60: {  	_ =	shalt  }
0x61: {  	_ =	shalt  }
0x62: {  	_ =	shalt  }
0x63: {  	_ =	shalt  }
0x64: {  	_ =	shalt  }
0x65: {  	_ =	shalt  }
0x66: {  	_ =	shalt  }
0x67: {  	_ =	shalt  }
0x68: {  	_ =	shalt  }
0x69: {  	_ =	shalt  }
0x6a: {  	_ =	shalt  }
0x6b: {  	_ =	shalt  }
0x6c: {  	_ =	shalt  }
0x6d: {  	_ =	shalt  }
0x6e: {  	_ =	shalt  }
0x6f: {  	_ =	shalt  }
0x70: {  	_ =	shalt  }
0x71: {  	_ =	shalt  }
0x72: {  	_ =	shalt  }
0x73: {  	_ =	shalt  }
0x74: {  	_ =	shalt  }
0x75: {  	_ =	shalt  }
0x76: {  	_ =	shalt  }
0x77: {  	_ =	shalt  }
0x78: {  	_ =	shalt  }
0x79: {  	_ =	shalt  }
0x7a: {  	_ =	shalt  }
0x7b: {  	_ =	shalt  }
0x7c: {  	_ =	shalt  }
0x7d: {  	_ =	shalt  }
0x7e: {  	_ =	shalt  }
0x7f: {  	_ =	shalt  }
0x80: {  	_ =	shalt  }
0x81: {  	_ =	shalt  }
0x82: {  	_ =	shalt  }
0x83: {  	_ =	shalt  }
0x84: {  	_ =	shalt  }
0x85: {  	_ =	shalt  }
0x86: {  	_ =	shalt  }
0x87: {  	_ =	shalt  }
.Lfunc_end0:
.L_simem_size_0:
called_computation_lowered:
.L_overlay_start_0:
0x88: {  	s2 =	sld [smem:$0x3FD9]  }
0x89: {  	s3 =	sld [smem:$0x3FFE];
	_ =	sdelay $0x1  }
0x8a: {  	s1 =	srdreg.scid  }
0x8b: {  	s0 =	sand.u32 $0x1, s1  }
0x8c: {  	s17 =	sshll.u32 s0, $0xA;
	s2 =	sadd.s32 s3, s2  }
0x8d: {  	s2 =	sadd.s32 s2, s17  }
0x8e: {  	[smem:$0x3FC4] =	sst s2  }
0x8f: {  	_ = 	snop  }
0x90: {  	s2 =	sld [smem:$0x3FD0];
	(tm) =	ssettm $0x1  }
0x91: {  	s18 =	sld [smem:$0x3FFB];
	_ =	sdelay $0x3  }
0x92: {  	_ =	strace s18  }
0x93: {  	s3 =	sld [smem:$0x3FFC];
	_ =	sdelay $0x3  }
0x94: {  	_ =	strace s3  }
0x95: {  	s3 =	sld [smem:$0x3FFD];
	_ =	sdelay $0x3  }
0x96: {  	_ =	strace s3  }
0x97: {  	_ =	strace $0x8FFFFFFF  }
0x98: {  	s19 =	sld [smem:$0x3FDB];
	_ =	sdelay $0x1  }
0x99: {  	s4 =	simm.s32 $_scs_section_size  }
0x9a: {  	s5 =	simm.s32 $_size__tile_overlayer_lowered;
	s6 =	simm.s32 $_tile_overlayer_lowered  }
0x9b: {  	s22 =	simm.s32 $0x1BFF;
	s21 =	sshll.u32 s6, $0x1;
	s3 =	sadd.s32 s4, s19  }
0x9c: {  	s7 =	simm.s32 $0x0;
	s20 =	sshll.u32 s5, $0x1;
	s5 =	sadd.s32 s21, s3  }
0x9d: {  	[timem:s7], [sflag:s22] =	dma.local [hbm:s5], s20  }
0x9e: {  	_ =	swait.ge [sflag:s22], s20  }
0x9f: {  	s4 =	ssub.s32 $0x0, s20;
	[sflag:s22] =	ssyncset.done $0x0  }
0xa0: {  	[sflag:s22] =	ssyncadd.s32 s4;
	_ =	sdelay $0x1  }
0xa1: {  	s23 =	simm.s32 $0x1B8B  }
0xa2: {  	_ =	swait.ge [sflag:s23], $0x1  }
0xa3: {  	[sflag:s23] =	ssyncset.done $0x0  }
0xa4: {  	s25 =	simm.s32 $0x1B8E;
	s24 =	sld [smem:$0x3FFE];
	[sflag:s23] =	ssyncadd.s32 $0xFFFFFFFF  }
0xa5: {  	s26 =	simm.s32 $execute0_lowered;
	[smem:$0x3FD2] =	sst s25  }
0xa6: {  	s5 =	sshll.u32 s26, $0x1;
	_ =	strace $0x80000046;
	[dreg:$0x1] =	wrdreg $0xFFFFFFFF  }
0xa7: {  	s28 =	simm.s32 $_size_execute0_lowered;
	s3 =	sadd.s32 s3, s5;
	[dreg:$0x0] =	wrdreg $0x0  }
0xa8: {  	s5 =	sshll.u32 s28, $0x1;
	[dreg:$0x2] =	wrdreg s3  }
0xa9: {  	[dreg:$0x3] =	wrdreg s5  }
0xaa: {  	[dreg:$0x4] =	wrdreg $0xC0  }
0xab: {  	_ =	task [dreg:s7], $0x5FFFF  }
0xac: {  	[dreg:$0x1] =	wrdreg $0xFFFFFFFF  }
0xad: {  	[dreg:$0x0] =	wrdreg $0x60  }
0xae: {  	[dreg:$0x2] =	wrdreg s2  }
0xaf: {  	[dreg:$0x3] =	wrdreg s24  }
0xb0: {  	[dreg:$0x4] =	wrdreg $0x43000  }
0xb1: {  	[dreg:$0x5] =	wrdreg $0x9  }
0xb2: {  	_ =	task.clear_ibuf [dreg:s7], $0x6FFFF;
	_ =	strace $0x90000046  }
0xb3: {  	s29 =	simm.s32 $0x9;
	_ =	strace $0x80000048  }
0xb4: {  	_ =	swait.ge [sflag:s29], $0x1  }
0xb5: {  	[sflag:s29] =	ssyncadd.s32 $0xFFFFFFFF  }
0xb6: {  	_ =	strace $0x90000048  }
0xb7: {  	_ =	sfence  }
0xb8: {  	s30 =	sld [smem:$0x0];
	_ =	sdelay $0x2  }
0xb9: {  	s31 =	sshll.u32 s1, $0xD;
	s1 =	sshrl.u32 s1, $0x2  }
0xba: {  	s3 =	sand.u32 $0x4000, s31;
	s1 =	sadd.s32 s1, s30  }
0xbb: {  	s0 =	sor.u32 s3, s0;
	s1 =	sshll.u32 s1, $0x11  }
0xbc: {  	s0 =	sor.u32 s1, s0  }
0xbd: {  	s0 =	sadd.s32 $0x8F2B, s0  }
0xbe: {  	[sflag:s0] =	ssyncadd.remote.s32 $0x1  }
0xbf: {  	_ =	sfence.sel $0xFFFF  }
0xc0: {  	[dreg:$0x0] =	wrdreg $0xFFFFFFFF;
	(pc) =	sbr.abs _section_cstart, $3  }
0xc1: {  	[dreg:$0x1] =	wrdreg $0xFFFFFFFF  }
0xc2: {  	_ =	task.clear_ibuf [dreg:s7], $0x2FFFF;
	_ =	strace $0x9FFFFFFF  }
0xc3: {  	(tm) =	ssettm $0x7FFFFFFF  }
tec
execute0_lowered:
.L_overlay_start_1:
0x0: {  	(tag) =	ssettag $0x1  }
0x1: {  	s4 =	rddreg [dreg:$0x0]  }
0x2: {  	s5 =	rddreg [dreg:$0x1]  }
0x3: {  	s2 =	rddreg [dreg:$0x2]  }
0x4: {  	s0 =	rddreg [dreg:$0x3]  }
0x5: {  	s6 =	srdreg.scid;
	s1 =	stileid.u32;
	s3 =	simm.s32 $0x0  }
0x6: {  	s11 =	simm.s32 $0x4000;
	s14 =	simm.s32 $0x20;
	s15 =	simm.s32 $0x10  }
0x7: {  	s16 =	simm.s32 $0x0;
	s6 =	sand.u32 $0x1, s6;
	s7 =	smul.u32 $0x500, s1  }
0x8: {  	[smem:$0x7FF] =	sst s3;
	s9 =	smul.u32 $0xA00, s1;
	s10 =	sshll.u32 s1, $0xC  }
0x9: {  	s12 =	sshll.u32 s1, $0x6;
	s8 =	sshll.u32 s6, $0x7;
	_ =	strace $0x80000047  }
0xa: {  	s29 =	ssub.s32 $0x2, s6;
	s6 =	sshll.u32 s6, $0xB;
	s12 =	sor.u32 $0x1C01, s12  }
0xb: {  	s7 =	sor.u32 s8, s7;
	s30 =	sshrl.u32 s29, $0x1;
	s4 =	sadd.s32 s4, s6  }
0xc: {  	s31 =	sshrl.u32 s9, $0x2;
	s9 =	simm.s32 $0x4080;
	s7 =	sshrl.u32 s7, $0x3  }
0xd: {  	s8 =	ssub.s32 s29, s30;
	s4 =	sadd.s32 s10, s4;
	s7 =	sadd.s32 s7, s5  }
0xe: {  	s10 =	simm.s32 $0x50;
	s5 =	sadd.s32 s31, s2;
	s6 =	sadd.s32 $0x1A00, s7  }
0xf: {  	v0 =	vimm.f32 $0.0e+00;
	v1 =	vimm.f32 $1.000000000e+00;
	s7 =	smax.u32 s8, $0x1;
	s8 =	simm.s32 $0x1;
	s13 =	sshrl.u32 s5, $0x3  }
.LBB2_1:
0x10: {  	[tilespmem:s3], [sflag:$0x1] =	stream.linear.gather [hbm4b:s4+s3], $0x3E80, $0x38;
	[tilespmem:$0x4580] =	vst v63  }
0x11: {  	_ =	swait.ge [sflag:s8], $0x3E80  }
0x12: {  	[sflag:s8] =	ssyncset.done $0x0  }
0x13: {  	[sflag:s8] =	ssyncadd.s32 $0xFFFFC180  }
0x14: {  	[tilespmem:$0x4080] =	vst v0  }
0x15: {  	[tilespmem:$0x4090] =	vst v0  }
0x16: {  	[tilespmem:$0x40A0] =	vst v0  }
0x17: {  	[tilespmem:$0x40B0] =	vst v0  }
0x18: {  	[tilespmem:$0x40C0] =	vst v0  }
0x19: {  	[tilespmem:$0x40D0] =	vst v0  }
0x1a: {  	[tilespmem:$0x40E0] =	vst v0  }
0x1b: {  	[tilespmem:$0x40F0] =	vst v0  }
0x1c: {  	[tilespmem:$0x4100] =	vst v0  }
0x1d: {  	[tilespmem:$0x4110] =	vst v0  }
0x1e: {  	[tilespmem:$0x4120] =	vst v0  }
0x1f: {  	[tilespmem:$0x4130] =	vst v0  }
0x20: {  	[tilespmem:$0x4140] =	vst v0  }
0x21: {  	[tilespmem:$0x4150] =	vst v0  }
0x22: {  	[tilespmem:$0x4160] =	vst v0  }
0x23: {  	[tilespmem:$0x4170] =	vst v0  }
0x24: {  	[tilespmem:$0x4180] =	vst v0  }
0x25: {  	[tilespmem:$0x4190] =	vst v0  }
0x26: {  	[tilespmem:$0x41A0] =	vst v0  }
0x27: {  	[tilespmem:$0x41B0] =	vst v0  }
0x28: {  	[tilespmem:$0x41C0] =	vst v0  }
0x29: {  	[tilespmem:$0x41D0] =	vst v0  }
0x2a: {  	[tilespmem:$0x41E0] =	vst v0  }
0x2b: {  	[tilespmem:$0x41F0] =	vst v0  }
0x2c: {  	[tilespmem:$0x4200] =	vst v0  }
0x2d: {  	[tilespmem:$0x4210] =	vst v0  }
0x2e: {  	[tilespmem:$0x4220] =	vst v0  }
0x2f: {  	[tilespmem:$0x4230] =	vst v0  }
0x30: {  	[tilespmem:$0x4240] =	vst v0  }
0x31: {  	[tilespmem:$0x4250] =	vst v0  }
0x32: {  	[tilespmem:$0x4260] =	vst v0  }
0x33: {  	[tilespmem:$0x4270] =	vst v0  }
0x34: {  	[tilespmem:$0x4280] =	vst v0  }
0x35: {  	[tilespmem:$0x4290] =	vst v0  }
0x36: {  	[tilespmem:$0x42A0] =	vst v0  }
0x37: {  	[tilespmem:$0x42B0] =	vst v0  }
0x38: {  	[tilespmem:$0x42C0] =	vst v0  }
0x39: {  	[tilespmem:$0x42D0] =	vst v0  }
0x3a: {  	[tilespmem:$0x42E0] =	vst v0  }
0x3b: {  	[tilespmem:$0x42F0] =	vst v0  }
0x3c: {  	[tilespmem:$0x4000] =	vst v1  }
0x3d: {  	[tilespmem:$0x4010] =	vst v1  }
0x3e: {  	[tilespmem:$0x4020] =	vst v1  }
0x3f: {  	[tilespmem:$0x4030] =	vst v1  }
0x40: {  	[tilespmem:$0x4040] =	vst v1  }
0x41: {  	[spmem:s5] =	stream.linear.scatter [tilespmem:s9], [sflag:$0x1], $0x280, $0x38;
	[tilespmem:$0x4580] =	vst v63  }
0x42: {  	_ =	swait.ge [sflag:s8], $0x280  }
0x43: {  	[sflag:s8] =	ssyncset.done $0x0  }
0x44: {  	[sflag:s8] =	ssyncadd.s32 $0xFFFFFD80  }
0x45: {  	s17 =	simm.s32 $0x0;
	[bflag:$0x0] =	sbarrier.arrive $0xFFFF  }
0x46: {  	[spmem:s2] =	stream.indirect.scatter.add.f32 [tilespmem:s11], [sflag:$0x1], $0x1, s17, s10, $0xb8;
	[tilespmem:$0x4580] =	vst v63  }
0x47: {  	_ =	swait.ge [sflag:s8], $0x50  }
0x48: {  	s17 =	simm.s32 $0x200;
	[sflag:s8] =	ssyncset.done $0x0  }
.LBB2_2:
0x49: {  	s18 =	sshra.s32 s17, $0x2;
	[sflag:s8] =	ssyncadd.s32 $0xFFFFFFB0;
	p0 =	sne.s32 s17, $0xF800  }
0x4a: {  	[spmem:s2] =	stream.indirect.scatter.add.f32 [tilespmem:s11], [sflag:$0x1], $0x1, s18, s10, $0xb8;
	[tilespmem:$0x4580] =	vst v63  }
.Ltmp0:
0x4b: {  	_ = 	snop;
	(pc) =	sbr.rel @p0 .LBB2_2-.Ltmp0, $4  }
0x4c: {  	_ = 	snop  }
0x4d: {  	s17 =	sadd.s32 $0x200, s17  }
0x4e: {  	_ =	swait.ge [sflag:s8], $0x50  }
0x4f: {  	[sflag:s8] =	ssyncset.done $0x0  }
0x50: {  	s16 =	sadd.s32 $0x1, s16  }
0x51: {  	[sflag:s8] =	ssyncadd.s32 $0xFFFFFFB0;
	p0 =	sne.s32 s16, s7  }
.Ltmp1:
0x52: {  	[bflag:$0x0] =	sbarrier.arrive $0xFFFF;
	(pc) =	sbr.rel @p0 .LBB2_1-.Ltmp1, $4  }
0x53: {  	[hbm:s6@s14], [sflag:s12] =	dma.strided [spmem:s13@s15], $0x50, s8, $0x10   }
0x54: {  	_ =	swait.ge [sflag:s8], $0x50  }
0x55: {  	[sflag:s8] =	ssyncset.done $0x0  }
0x56: {  	[sflag:s8] =	ssyncadd.s32 $0xFFFFFFB0  }
0x57: {  	_ =	sfence.sel $0x180000  }
0x58: {  	[bflag:$0x0] =	sbarrier.arrive $0xFFFF  }
0x59: {  	p0 =	sne.s32 s1, $0x0;
	_ =	strace $0x90000047  }
0x5a: {  	s0 =	sadd.s32 @!p0 $0x100000, s0;
	[bflag:$0x2] =	sbarrier.arrive $0xFFFF  }
0x5b: {  	[sflag:s0] =	ssyncadd.tile.s32 @!p0 $0x1;
	_ =	shalt  }
.Lfunc_end2:
_tile_overlayer_lowered:
.L_overlay_start_2:
0x5c: {  	(tag) =	ssettag $0x2  }
0x5d: {  	s0 =	rddreg [dreg:$0x0];
	s2 =	stileid.u32  }
0x5e: {  	s1 =	rddreg [dreg:$0x1];
	p0 =	sne.s32 s2, $0x0  }
0x5f: {  	s3 =	rddreg [dreg:$0x2];
	[bflag:$0x3] =	sbarrier.arrive $0xFFFF;
	s2 =	simm.s32 @!p0 $0x1C01  }
0x60: {  	[timem:s3], [sflag:s2] =	dma.local @!p0 [hbm:s0], s1  }
0x61: {  	s0 =	simm.s32 @!p0 $0x1  }
0x62: {  	_ =	swait.ge @!p0 [sflag:s0], s1  }
0x63: {  	s1 =	ssub.s32 @!p0 $0x0, s1;
	[sflag:s0] =	ssyncset.done @!p0 $0x0  }
0x64: {  	[sflag:s0] =	ssyncadd.s32 @!p0 s1  }
0x65: {  	[bflag:$0x3] =	sbarrier.arrive $0xFFFF  }
0x66: {  	_ =	shalt  }

// kernel: kernel.9.cloned.1.call-start
scs
__scs_entry_jumppad:
0x0: {  	(pc) =	sbr.rel $0x88, $3  }
0x1: {  	(tag) =	ssettag $0x0;
	lr =	simm.s32 $0x1  }
0x2: {  	[smem:$0x3F9D] =	sst lr;
	_ =	strace $0xD0000000  }
0x3: {  	_ = 	snop  }
0x4: {  	_ = 	snop  }
0x5: {  	_ = 	snop  }
0x6: {  	_ = 	snop  }
0x7: {  	_ = 	snop  }
__scs_overlays_trampoline_lowered:
0x8: {  	[smem:$0x3FAC] =	sst s0  }
0x9: {  	[smem:$0x3FAD] =	sst s1  }
0xa: {  	[smem:$0x3FAE] =	sst s2  }
0xb: {  	[smem:$0x3FAF] =	sst s3  }
0xc: {  	[smem:$0x3FB0] =	sst s4  }
0xd: {  	[smem:$0x3FB1] =	sst s5  }
0xe: {  	[smem:$0x3FB2] =	sst s6  }
0xf: {  	[smem:$0x3FB3] =	sst s7  }
0x10: {  	[smem:$0x3FB4] =	sst s8  }
0x11: {  	[smem:$0x3FB5] =	sst s9;
	s0 =	simm.s32 @!p0 $0x0  }
0x12: {  	s1 =	sld [smem:$0x3F9B];
	s0 =	simm.s32 @p0 $0x1  }
0x13: {  	[smem:$0x3FB6] =	sst s0;
	s0 =	simm.s32 @!p1 $0x0  }
0x14: {  	s2 =	sld [smem:$0x3F9A];
	s0 =	simm.s32 @p1 $0x1  }
0x15: {  	[smem:$0x3FB7] =	sst s0;
	s0 =	simm.s32 @!p2 $0x0  }
0x16: {  	s3 =	sld [smem:$0x3FDB];
	s0 =	simm.s32 @p2 $0x1  }
0x17: {  	s4 =	simm.s32 $0x1BF5;
	[smem:$0x3FB9] =	sst s0  }
0x18: {  	s0 =	sld [smem:$0x3F9C];
	_ =	swait.ge [sflag:s4], $0x0  }
0x19: {  	s7 =	sld [smem:$0x3F9D]  }
0x1a: {  	s8 =	sadd.s32 $0xFFFFE003, lr  }
0x1b: {  	s9 =	sadd.s32 $0xFFFFFEF7, lr;
	s5 =	simm.s32 $0xFFFFFFFF;
	p2 =	slt.u32 s8, $0xFFFFF086  }
0x1c: {  	p1 =	slt.u32 s9, $0xF7A;
	s5 =	simm.s32 @!p2 $0x0  }
0x1d: {  	s5 =	simm.s32 @p1 $0x1;
	p0 =	seq.s32 s7, s2  }
0x1e: {  	s7 =	smul.u32 @!p0 $0xF7A, s2;
	p2 =	seq.s32 @!p0 s5, $0x0  }
0x1f: {  	s9 =	smul.u32 $0xF7A, s1;
	s8 =	simm.s32 @!p0 $0x1BF5;
	p2 =	por !p2, p0  }
0x20: {  	[sflag:s8] =	ssyncset.s32 @!p0 $0xFFFFF086;
	s6 =	sadd.s32 @!p0 s3, s7;
	s7 =	simm.s32 @!p0 $0x108  }
0x21: {  	s3 =	sadd.s32 s3, s9;
	s6 =	sadd.s32 @!p0 $0x88, s6;
	s7 =	simm.s32 @p2 $0x1082  }
0x22: {  	[simem:s7], [sflag:s8] =	dma.local @!p0 [hbm:s6], $0xF7A  }
0x23: {  	s9 =	sor.u32 $0xD0000000, s2;
	s6 =	simm.s32 $0x108;
	_ =	swait.ge @!p0 [sflag:s8], $0x0  }
0x24: {  	s3 =	sadd.s32 $0x88, s3;
	s6 =	simm.s32 @!p1 $0x1082;
	[sflag:s4] =	ssyncset.s32 $0xFFFFF086  }
0x25: {  	[simem:s6], [sflag:s4] =	dma.local [hbm:s3], $0xF7A  }
0x26: {  	[smem:$0x3F9D] =	sst s1;
	(tag) =	ssettag s2;
	_ =	strace s9  }
0x27: {  	s1 =	sld [smem:$0x3FAD]  }
0x28: {  	s2 =	sld [smem:$0x3FAE]  }
0x29: {  	s4 =	sld [smem:$0x3FB0]  }
0x2a: {  	p0 =	seq.s32 s5, $0x0;
	s5 =	sld [smem:$0x3FB1]  }
0x2b: {  	s6 =	sld [smem:$0x3FB2]  }
0x2c: {  	s7 =	sld [smem:$0x3FB3]  }
0x2d: {  	s3 =	simm.s32 $0x108;
	s8 =	sld [smem:$0x3FB4]  }
0x2e: {  	s3 =	simm.s32 @!p0 $0x1082;
	s9 =	sld [smem:$0x3FB5]  }
0x2f: {  	lr =	sadd.s32 s0, s3;
	s0 =	sld [smem:$0x3FAC]  }
0x30: {  	s3 =	sld [smem:$0x3FAF]  }
0x31: {  	[smem:$0x3FB8] =	sst s10  }
0x32: {  	s10 =	sld [smem:$0x3FB6];
	_ =	sdelay $0x3  }
0x33: {  	p0 =	seq.s32 s10, $0x1;
	s10 =	sld [smem:$0x3FB8];
	_ =	sdelay $0x3  }
0x34: {  	[smem:$0x3FB8] =	sst s10  }
0x35: {  	s10 =	sld [smem:$0x3FB7];
	_ =	sdelay $0x3  }
0x36: {  	p1 =	seq.s32 s10, $0x1;
	s10 =	sld [smem:$0x3FB8];
	_ =	sdelay $0x3  }
0x37: {  	[smem:$0x3FB8] =	sst s10  }
0x38: {  	s10 =	sld [smem:$0x3FB9]  }
0x39: {  	_ = 	snop;
	(pc) =	sbr.ind lr, $3  }
0x3a: {  	_ = 	snop  }
0x3b: {  	_ = 	snop  }
0x3c: {  	p2 =	seq.s32 s10, $0x1;
	s10 =	sld [smem:$0x3FB8]  }
0x3d: {  	_ =	shalt  }
0x3e: {  	_ =	shalt  }
0x3f: {  	_ =	shalt  }
0x40: {  	_ =	shalt  }
0x41: {  	_ =	shalt  }
0x42: {  	_ =	shalt  }
0x43: {  	_ =	shalt  }
0x44: {  	_ =	shalt  }
0x45: {  	_ =	shalt  }
0x46: {  	_ =	shalt  }
0x47: {  	_ =	shalt  }
0x48: {  	_ =	shalt  }
0x49: {  	_ =	shalt  }
0x4a: {  	_ =	shalt  }
0x4b: {  	_ =	shalt  }
0x4c: {  	_ =	shalt  }
0x4d: {  	_ =	shalt  }
0x4e: {  	_ =	shalt  }
0x4f: {  	_ =	shalt  }
0x50: {  	_ =	shalt  }
0x51: {  	_ =	shalt  }
0x52: {  	_ =	shalt  }
0x53: {  	_ =	shalt  }
0x54: {  	_ =	shalt  }
0x55: {  	_ =	shalt  }
0x56: {  	_ =	shalt  }
0x57: {  	_ =	shalt  }
0x58: {  	_ =	shalt  }
0x59: {  	_ =	shalt  }
0x5a: {  	_ =	shalt  }
0x5b: {  	_ =	shalt  }
0x5c: {  	_ =	shalt  }
0x5d: {  	_ =	shalt  }
0x5e: {  	_ =	shalt  }
0x5f: {  	_ =	shalt  }
0x60: {  	_ =	shalt  }
0x61: {  	_ =	shalt  }
0x62: {  	_ =	shalt  }
0x63: {  	_ =	shalt  }
0x64: {  	_ =	shalt  }
0x65: {  	_ =	shalt  }
0x66: {  	_ =	shalt  }
0x67: {  	_ =	shalt  }
0x68: {  	_ =	shalt  }
0x69: {  	_ =	shalt  }
0x6a: {  	_ =	shalt  }
0x6b: {  	_ =	shalt  }
0x6c: {  	_ =	shalt  }
0x6d: {  	_ =	shalt  }
0x6e: {  	_ =	shalt  }
0x6f: {  	_ =	shalt  }
0x70: {  	_ =	shalt  }
0x71: {  	_ =	shalt  }
0x72: {  	_ =	shalt  }
0x73: {  	_ =	shalt  }
0x74: {  	_ =	shalt  }
0x75: {  	_ =	shalt  }
0x76: {  	_ =	shalt  }
0x77: {  	_ =	shalt  }
0x78: {  	_ =	shalt  }
0x79: {  	_ =	shalt  }
0x7a: {  	_ =	shalt  }
0x7b: {  	_ =	shalt  }
0x7c: {  	_ =	shalt  }
0x7d: {  	_ =	shalt  }
0x7e: {  	_ =	shalt  }
0x7f: {  	_ =	shalt  }
0x80: {  	_ =	shalt  }
0x81: {  	_ =	shalt  }
0x82: {  	_ =	shalt  }
0x83: {  	_ =	shalt  }
0x84: {  	_ =	shalt  }
0x85: {  	_ =	shalt  }
0x86: {  	_ =	shalt  }
0x87: {  	_ =	shalt  }
.Lfunc_end0:
.L_simem_size_0:
called_computation.1_lowered:
.L_overlay_start_0:
0x88: {  	s2 =	sld [smem:$0x3FD9]  }
0x89: {  	s3 =	sld [smem:$0x3FFE];
	_ =	sdelay $0x1  }
0x8a: {  	s1 =	srdreg.scid  }
0x8b: {  	s0 =	sand.u32 $0x1, s1  }
0x8c: {  	s16 =	sshll.u32 s0, $0xA;
	s2 =	sadd.s32 s3, s2  }
0x8d: {  	s2 =	sadd.s32 s2, s16  }
0x8e: {  	[smem:$0x3FC4] =	sst s2  }
0x8f: {  	_ = 	snop  }
0x90: {  	(tm) =	ssettm $0x1  }
0x91: {  	s17 =	sld [smem:$0x3FFB];
	_ =	sdelay $0x3  }
0x92: {  	_ =	strace s17  }
0x93: {  	s2 =	sld [smem:$0x3FFC];
	_ =	sdelay $0x3  }
0x94: {  	_ =	strace s2  }
0x95: {  	s2 =	sld [smem:$0x3FFD];
	_ =	sdelay $0x3  }
0x96: {  	_ =	strace s2  }
0x97: {  	_ =	strace $0x8FFFFFFF  }
0x98: {  	s18 =	sld [smem:$0x3FDB];
	_ =	sdelay $0x1  }
0x99: {  	s19 =	simm.s32 $_scs_section_size  }
0x9a: {  	s4 =	simm.s32 $_size__tile_overlayer_lowered;
	s5 =	simm.s32 $_tile_overlayer_lowered  }
0x9b: {  	s22 =	simm.s32 $0x1BFF;
	s21 =	sshll.u32 s5, $0x1;
	s2 =	sadd.s32 s19, s18  }
0x9c: {  	s6 =	simm.s32 $0x0;
	s20 =	sshll.u32 s4, $0x1;
	s4 =	sadd.s32 s21, s2  }
0x9d: {  	[timem:s6], [sflag:s22] =	dma.local [hbm:s4], s20  }
0x9e: {  	_ =	swait.ge [sflag:s22], s20  }
0x9f: {  	s3 =	ssub.s32 $0x0, s20;
	[sflag:s22] =	ssyncset.done $0x0  }
0xa0: {  	[sflag:s22] =	ssyncadd.s32 s3;
	_ =	sdelay $0x1  }
0xa1: {  	s23 =	simm.s32 $0x1B8B  }
0xa2: {  	_ =	swait.ge [sflag:s23], $0x1  }
0xa3: {  	[sflag:s23] =	ssyncset.done $0x0  }
0xa4: {  	s25 =	simm.s32 $0x1B8E;
	s24 =	sld [smem:$0x3FFE];
	[sflag:s23] =	ssyncadd.s32 $0xFFFFFFFF  }
0xa5: {  	s26 =	simm.s32 $execute0_lowered;
	[smem:$0x3FD2] =	sst s25  }
0xa6: {  	s4 =	sshll.u32 s26, $0x1;
	_ =	strace $0x80000049;
	[dreg:$0x1] =	wrdreg $0xFFFFFFFF  }
0xa7: {  	s28 =	simm.s32 $_size_execute0_lowered;
	s2 =	sadd.s32 s2, s4;
	[dreg:$0x0] =	wrdreg $0x0  }
0xa8: {  	s4 =	sshll.u32 s28, $0x1;
	[dreg:$0x2] =	wrdreg s2  }
0xa9: {  	[dreg:$0x3] =	wrdreg s4  }
0xaa: {  	[dreg:$0x4] =	wrdreg $0xC0  }
0xab: {  	_ =	task [dreg:s6], $0x5FFFF  }
0xac: {  	[dreg:$0x1] =	wrdreg $0xFFFFFFFF  }
0xad: {  	[dreg:$0x0] =	wrdreg $0x60  }
0xae: {  	[dreg:$0x2] =	wrdreg s24  }
0xaf: {  	[dreg:$0x3] =	wrdreg $0x0  }
0xb0: {  	[dreg:$0x4] =	wrdreg $0x9  }
0xb1: {  	_ =	task.clear_ibuf [dreg:s6], $0x5FFFF;
	_ =	strace $0x90000049  }
0xb2: {  	s29 =	simm.s32 $0x9;
	_ =	strace $0x8000004B  }
0xb3: {  	_ =	swait.ge [sflag:s29], $0x1  }
0xb4: {  	[sflag:s29] =	ssyncadd.s32 $0xFFFFFFFF  }
0xb5: {  	_ =	strace $0x9000004B  }
0xb6: {  	_ =	sfence  }
0xb7: {  	s30 =	sld [smem:$0x0];
	_ =	sdelay $0x2  }
0xb8: {  	s31 =	sshll.u32 s1, $0xD;
	s1 =	sshrl.u32 s1, $0x2  }
0xb9: {  	s3 =	sand.u32 $0x4000, s31;
	s1 =	sadd.s32 s1, s30  }
0xba: {  	s0 =	sor.u32 s3, s0;
	s1 =	sshll.u32 s1, $0x11  }
0xbb: {  	s0 =	sor.u32 s1, s0  }
0xbc: {  	s0 =	sadd.s32 $0x8F2B, s0  }
0xbd: {  	[sflag:s0] =	ssyncadd.remote.s32 $0x1  }
0xbe: {  	_ =	sfence.sel $0xFFFF  }
0xbf: {  	[dreg:$0x0] =	wrdreg $0xFFFFFFFF;
	(pc) =	sbr.abs _section_cstart, $3  }
0xc0: {  	[dreg:$0x1] =	wrdreg $0xFFFFFFFF  }
0xc1: {  	_ =	task.clear_ibuf [dreg:s6], $0x2FFFF;
	_ =	strace $0x9FFFFFFF  }
0xc2: {  	(tm) =	ssettm $0x7FFFFFFF  }
0xc3: {  	_ =	shalt  }
tec
execute0_lowered:
.L_overlay_start_1:
0x0: {  	(tag) =	ssettag $0x1  }
0x1: {  	s1 =	srdreg.scid;
	s5 =	rddreg [dreg:$0x0]  }
0x2: {  	s0 =	stileid.u32;
	s2 =	rddreg [dreg:$0x1]  }
0x3: {  	s3 =	simm.s32 $0x0;
	s11 =	simm.s32 $0x1;
	s12 =	simm.s32 $0x16800  }
0x4: {  	s15 =	simm.s32 $0x7D;
	s16 =	simm.s32 $0x19000;
	s17 =	simm.s32 $0x0  }
0x5: {  	s4 =	sand.u32 $0x1, s1;
	s30 =	sshll.u32 s0, $0x1;
	s7 =	smul.u32 $0x14000, s0  }
0x6: {  	[smem:$0x7FF] =	sst s3;
	s10 =	smul.u32 $0x50000, s0;
	s13 =	sshll.u32 s0, $0x6  }
0x7: {  	s1 =	sor.u32 s4, s30;
	s8 =	smul.u32 $0x140000, s4;
	s9 =	ssub.s32 $0x2, s4  }
0x8: {  	s4 =	sadd.s32 $0x16400, s5;
	s13 =	sor.u32 $0x1C01, s13;
	s6 =	smul.u32 $0x500, s1  }
0x9: {  	s1 =	rddreg [dreg:$0x2];
	_ =	strace $0x8000004A;
	s31 =	sshrl.u32 s9, $0x1  }
0xa: {  	s10 =	sshrl.u32 s10, $0x2;
	s8 =	sadd.s32 s7, s8;
	s9 =	ssub.s32 s9, s31  }
0xb: {  	s14 =	sadd.s32 s10, s2;
	s7 =	sshrl.u32 s7, $0x3;
	s10 =	simm.s32 $0x14000  }
0xc: {  	s6 =	sadd.s32 s6, s5;
	s8 =	sshrl.u32 s8, $0x3;
	s7 =	sadd.s32 s4, s7  }
0xd: {  	s9 =	smax.u32 s9, $0x1;
	s14 =	sshrl.u32 s14, $0x3;
	s8 =	sadd.s32 s8, s5  }
0xe: {  	s5 =	sadd.s32 $0xC400, s6;
	s6 =	sadd.s32 $0x2400, s6;
	s8 =	sadd.s32 $0x3E400, s8  }
.LBB2_1:
0xf: {  	[tilespmem:s10], [sflag:$0x1] =	stream.linear.gather [hbm4b:s5+s3], $0x2800, $0x38;
	[tilespmem:$0x1D000] =	vst v63  }
0x10: {  	_ =	swait.ge [sflag:s11], $0x2800  }
0x11: {  	[sflag:s11] =	ssyncset.done $0x0  }
0x12: {  	[sflag:s11] =	ssyncadd.s32 $0xFFFFD800  }
0x13: {  	[tilespmem:s12], [sflag:$0x1] =	stream.linear.gather [hbm4b:s6+s3], $0x2800, $0x38;
	[tilespmem:$0x1D000] =	vst v63  }
0x14: {  	_ =	swait.ge [sflag:s11], $0x2800  }
0x15: {  	[sflag:s11] =	ssyncset.done $0x0  }
0x16: {  	[sflag:s11] =	ssyncadd.s32 $0xFFFFD800  }
0x17: {  	[spmem:s14], [sflag:s13] =	dma.local [hbm:s7], $0x2800  }
0x18: {  	_ =	swait.ge [sflag:s11], $0x2800  }
0x19: {  	[sflag:s11] =	ssyncset.done $0x0  }
0x1a: {  	[sflag:s11] =	ssyncadd.s32 $0xFFFFD800  }
0x1b: {  	s18 =	simm.s32 $0x14000;
	[bflag:$0x0] =	sbarrier.arrive $0xFFFF  }
0x1c: {  	[tilespmem:s16], [sflag:$0x1] =	stream.indirect.gather [hbm4b:s4+s15], $0x80, s18, s15, $0xb8;
	[tilespmem:$0x1D000] =	vst v63  }
0x1d: {  	_ =	swait.ge [sflag:s11], $0x3E80  }
0x1e: {  	[sflag:s11] =	ssyncset.done $0x0  }
0x1f: {  	s31 =	simm.s32 $0x16800;
	[sflag:s11] =	ssyncadd.s32 $0xFFFFC180  }
0x20: {  	[spmem:s2] =	stream.indirect.scatter.add.f32 [tilespmem:s16], [sflag:$0x1], $0x80, s31, s15, $0xb8;
	[tilespmem:$0x1D000] =	vst v63  }
0x21: {  	_ =	swait.ge [sflag:s11], $0x3E80  }
0x22: {  	s19 =	simm.s32 $0x400;
	s18 =	simm.s32 $0x80;
	[sflag:s11] =	ssyncset.done $0x0  }
.LBB2_2:
0x23: {  	s20 =	sadd.s32 $0x14000, s18  }
0x24: {  	[sflag:s11] =	ssyncadd.s32 $0xFFFFC180;
	s21 =	smov.u32 s19;
	s22 =	sadd.s32 $0x200, s19  }
0x25: {  	[tilespmem:s16], [sflag:$0x1] =	stream.indirect.gather [hbm4b:s4+s15], $0x80, s20, s15, $0xb8;
	[tilespmem:$0x1D000] =	vst v63  }
0x26: {  	p0 =	sne.s32 s19, $0x9E00;
	_ =	swait.ge [sflag:s11], $0x3E80  }
.Ltmp0:
0x27: {  	[sflag:s11] =	ssyncset.done $0x0;
	(pc) =	sbr.rel @p0 .LBB2_2-.Ltmp0, $4  }
0x28: {  	s18 =	sadd.s32 $0x16800, s18;
	[sflag:s11] =	ssyncadd.s32 $0xFFFFC180  }
0x29: {  	[spmem:s2] =	stream.indirect.scatter.add.f32 [tilespmem:s16], [sflag:$0x1], $0x80, s18, s15, $0xb8;
	[tilespmem:$0x1D000] =	vst v63  }
0x2a: {  	_ =	swait.ge [sflag:s11], $0x3E80  }
0x2b: {  	s19 =	smov.u32 s22;
	s18 =	sshra.s32 s21, $0x2;
	[sflag:s11] =	ssyncset.done $0x0  }
0x2c: {  	s19 =	sadd.s32 $0x14000, s18;
	[sflag:s11] =	ssyncadd.s32 $0xFFFFC180  }
0x2d: {  	[tilespmem:s16], [sflag:$0x1] =	stream.indirect.gather [hbm4b:s4+s15], $0x80, s19, s15, $0xb8;
	[tilespmem:$0x1D000] =	vst v63  }
0x2e: {  	_ =	swait.ge [sflag:s11], $0x3E80  }
0x2f: {  	[sflag:s11] =	ssyncset.done $0x0  }
0x30: {  	s31 =	sadd.s32 $0x16800, s18;
	[sflag:s11] =	ssyncadd.s32 $0xFFFFC180  }
0x31: {  	[spmem:s2] =	stream.indirect.scatter.add.f32 [tilespmem:s16], [sflag:$0x1], $0x80, s31, s15, $0xb8;
	[tilespmem:$0x1D000] =	vst v63  }
0x32: {  	_ =	swait.ge [sflag:s11], $0x3E80  }
0x33: {  	s17 =	sadd.s32 $0x1, s17;
	[sflag:s11] =	ssyncset.done $0x0  }
0x34: {  	p0 =	sne.s32 s17, s9;
	[sflag:s11] =	ssyncadd.s32 $0xFFFFC180  }
.Ltmp1:
0x35: {  	[bflag:$0x0] =	sbarrier.arrive $0xFFFF;
	(pc) =	sbr.rel @p0 .LBB2_1-.Ltmp1, $4  }
0x36: {  	[hbm:s8], [sflag:s13] =	dma.local [spmem:s14], $0x2800  }
0x37: {  	_ =	swait.ge [sflag:s11], $0x2800  }
0x38: {  	[sflag:s11] =	ssyncset.done $0x0  }
0x39: {  	[sflag:s11] =	ssyncadd.s32 $0xFFFFD800  }
0x3a: {  	_ =	sfence.sel $0x180000  }
0x3b: {  	[bflag:$0x0] =	sbarrier.arrive $0xFFFF  }
0x3c: {  	p0 =	sne.s32 s0, $0x0;
	_ =	strace $0x9000004A  }
0x3d: {  	s0 =	sadd.s32 @!p0 $0x100000, s1;
	[bflag:$0x2] =	sbarrier.arrive $0xFFFF  }
0x3e: {  	[sflag:s0] =	ssyncadd.tile.s32 @!p0 $0x1;
	_ =	shalt  }
.Lfunc_end2:
_tile_overlayer_lowered:
.L_overlay_start_2:
0x3f: {  	(tag) =	ssettag $0x2  }
0x40: {  	s0 =	rddreg [dreg:$0x0];
	s2 =	stileid.u32  }
0x41: {  	s1 =	rddreg [dreg:$0x1];
	p0 =	sne.s32 s2, $0x0  }
0x42: {  	s3 =	rddreg [dreg:$0x2];
	[bflag:$0x3] =	sbarrier.arrive $0xFFFF;
	s2 =	simm.s32 @!p0 $0x1C01  }
0x43: {  	[timem:s3], [sflag:s2] =	dma.local @!p0 [hbm:s0], s1  }
0x44: {  	s0 =	simm.s32 @!p0 $0x1  }
0x45: {  	_ =	swait.ge @!p0 [sflag:s0], s1  }
0x46: {  	s1 =	ssub.s32 @!p0 $0x0, s1;
	[sflag:s0] =	ssyncset.done @!p0 $0x0  }
0x47: {  	[sflag:s0] =	ssyncadd.s32 @!p0 s1  }
0x48: {  	[bflag:$0x3] =	sbarrier.arrive $0xFFFF  }
0x49: {  	_ =	shalt  }

</sc_bundles>
